<compile_context>
chip_gen: v7x
topology: tpu7x:2x2x1
jax: 0.10.2.dev20260603
libtpu: 0.0.44.dev20260713+nightly
codegen_flags: <defaults>
</compile_context>

<pallas_src>
import jax
import jax.numpy as jnp
from jax import lax
from jax.experimental import pallas as pl
from jax.experimental.pallas import tpu as pltpu
from jax.experimental.pallas import tpu_sc as plsc

V = 32000
NROWS = 2048
P = 16384
NW = 32
KPW = 64
KPAD = 66
MREP_ROWS = 2056
LANES = 16


def _sc_body(probs_hbm, packed_hbm, mrep_hbm, out_hbm,
             r0, r1, r2, acc, pk, mb, s0, s1, s2):
    c = lax.axis_index("c")
    s = lax.axis_index("s")
    w = s * 2 + c
    k0 = 1 + KPW * w

    def row_of(i):
        return jnp.minimum(k0 - 1 + i, NROWS - 1)

    bufs = (r0, r1, r2)
    sems = (s0, s1, s2)

    pltpu.async_copy(probs_hbm.at[row_of(0)], r0, s0)
    pltpu.async_copy(probs_hbm.at[row_of(1)], r1, s1)
    pltpu.async_copy(packed_hbm, pk, s2)
    pltpu.sync_copy(mrep_hbm.at[pl.ds(k0 * LANES, KPAD * LANES)], mb)

    zeros = jnp.zeros((LANES,), jnp.float32)

    @plsc.parallel_loop(0, P // LANES, unroll=8)
    def _zero(j):
        acc[pl.ds(pl.multiple_of(j * LANES, LANES), LANES)] = zeros

    pltpu.make_async_copy(packed_hbm, pk, s2).wait()
    pltpu.make_async_copy(probs_hbm.at[row_of(0)], r0, s0).wait()

    def compute(first, second, i):
        mvec = mb[pl.ds(pl.multiple_of(i * LANES, LANES), LANES)]
        msum = jnp.sum(mvec)

        @pl.when(msum > 0.0)
        def _():
            @plsc.parallel_loop(0, P // LANES, unroll=8)
            def _inner(j):
                off = pl.ds(pl.multiple_of(j * LANES, LANES), LANES)
                pw = pk[off]
                ia = lax.bitwise_and(pw, 0xFFFF)
                ib = lax.shift_right_logical(pw, 16)
                va = plsc.load_gather(first, [ia])
                vb = plsc.load_gather(second, [ib])
                plsc.addupdate(acc.at[off], va * vb)

    @pl.loop(0, KPAD // 3)
    def _outer(g):
        for ph in range(3):
            i = g * 3 + ph
            cur = ph
            nxt = (ph + 1) % 3
            pf = (ph + 2) % 3
            pltpu.async_copy(probs_hbm.at[row_of(i + 2)], bufs[pf], sems[pf])
            pltpu.make_async_copy(
                probs_hbm.at[row_of(i + 1)], bufs[nxt], sems[nxt]).wait()
            compute(bufs[cur], bufs[nxt], i)

    pltpu.make_async_copy(probs_hbm.at[row_of(KPAD + 1)], bufs[(KPAD + 1) % 3],
                          sems[(KPAD + 1) % 3]).wait()

    pltpu.sync_copy(acc, out_hbm.at[w])


def _sc_partials(probs_flat, packed, mrep):
    mesh = plsc.VectorSubcoreMesh(core_axis_name="c", subcore_axis_name="s")
    fn = pl.kernel(
        _sc_body,
        out_type=jax.ShapeDtypeStruct((NW, P), jnp.float32),
        mesh=mesh,
        compiler_params=pltpu.CompilerParams(needs_layout_passes=False),
        scratch_types=[
            pltpu.VMEM((V,), jnp.float32),
            pltpu.VMEM((V,), jnp.float32),
            pltpu.VMEM((V,), jnp.float32),
            pltpu.VMEM((P,), jnp.float32),
            pltpu.VMEM((P,), jnp.int32),
            pltpu.VMEM((KPAD * LANES,), jnp.float32),
            pltpu.SemaphoreType.DMA,
            pltpu.SemaphoreType.DMA,
            pltpu.SemaphoreType.DMA,
        ],
    )
    return fn(probs_flat, packed, mrep)


def _finalize_body(part_ref, mask_ref, tp_ref, toov_ref, out_ref):
    ts = part_ref[0]
    for i in range(1, NW):
        ts = ts + part_ref[i]
    m = mask_ref[...]
    n_pairs = jnp.sum(m[:, :-1] * m[:, 1:])
    n = jnp.maximum(n_pairs, 1.0)
    model_top = jnp.maximum(ts / n, 1e-12)
    top_mass = jnp.sum(model_top)
    model_oov = jnp.clip(1.0 - top_mass, 1e-12, 1.0 - 1e-8)
    tp = jnp.maximum(tp_ref[...], 1e-8)
    kl_top = jnp.sum(model_top * (jnp.log(model_top) - jnp.log(tp)))
    toov = jnp.maximum(toov_ref[0], 1e-8)
    kl_oov = model_oov * (jnp.log(model_oov) - jnp.log(toov))
    out_ref[0] = kl_top + kl_oov


def _finalize(partials, maskf, tp, toov):
    return pl.pallas_call(
        _finalize_body,
        out_shape=jax.ShapeDtypeStruct((1,), jnp.float32),
        in_specs=[
            pl.BlockSpec(memory_space=None),
            pl.BlockSpec(memory_space=None),
            pl.BlockSpec(memory_space=None),
            pl.BlockSpec(memory_space=pltpu.SMEM),
        ],
        out_specs=pl.BlockSpec(memory_space=pltpu.SMEM),
    )(partials, maskf, tp, toov)


@jax.jit
def kernel(probs, mask, pairs, target_probs, target_oov):
    probs_flat = probs.reshape(NROWS, V)
    a = pairs[:, 0].astype(jnp.int32)
    b = pairs[:, 1].astype(jnp.int32)
    packed = jnp.bitwise_or(a, jnp.left_shift(b, 16))

    maskf = mask.astype(jnp.float32)
    pm = maskf[:, :-1] * maskf[:, 1:]
    mr = jnp.zeros((MREP_ROWS,), jnp.float32)
    mr = mr.at[1:1024].set(pm[0]).at[1025:2048].set(pm[1])
    mrep = jnp.broadcast_to(mr[:, None], (MREP_ROWS, LANES)).reshape(-1)

    partials = _sc_partials(probs_flat, packed, mrep)

    mask_pad = jnp.pad(maskf, ((0, 6), (0, 0)))
    out = _finalize(
        partials.reshape(NW, 128, 128),
        mask_pad,
        target_probs.reshape(128, 128),
        target_oov.reshape(1),
    )
    return out.reshape(())

# --- scband reference (transcript-rebuilt; emitter-appended) ---
"""Pipeline reference for scband-bigram-klloss-84421877170331 (READ-ONLY COPY).

The authoritative reference and input builder live on the scoring server;
editing this copy changes nothing except your own understanding.
"""

import jax, jax.numpy as jnp
import numpy as np

VOCAB = 32000
P = 16384
B = 2
S = 1024


def setup_inputs(seed: int = 0) -> dict:
    key = jax.random.key(seed)
    k1, k2, k3 = jax.random.split(key, 3)
    # forward inputs (per input_specs)
    probs = jax.random.uniform(k1, (B, S, VOCAB), dtype=jnp.float32)
    probs = probs / probs.sum(axis=-1, keepdims=True)  # valid per-token distributions
    mask = jnp.ones((B, S), dtype=bool)
    # buffers normally loaded from the npz corpus-bigram file
    pairs = jax.random.randint(k2, (P, 2), 0, VOCAB, dtype=jnp.int32)
    target_probs = jax.random.uniform(k3, (P,), dtype=jnp.float32)
    target_probs = target_probs / (target_probs.sum() * 1.25)  # top-K covers ~80% of mass
    target_oov = jnp.maximum(1.0 - target_probs.sum(), 1e-8).astype(jnp.float32)
    return {
        'probs': probs,
        'mask': mask,
        'pairs': pairs,
        'target_probs': target_probs,
        'target_oov': target_oov,
    }


def reference(probs, mask, pairs, target_probs, target_oov):
    # ---- BigramKLLoss.partial ----
    a = pairs[:, 0]
    b = pairs[:, 1]
    p_t = probs[:, :-1, :]
    p_t1 = probs[:, 1:, :]
    pair_mask = (mask[:, :-1] & mask[:, 1:]).astype(jnp.float32)
    # gather along vocab axis for each bigram pair -> [B, S-1, P]
    joint = jnp.take(p_t, a, axis=-1) * jnp.take(p_t1, b, axis=-1)
    topk_sum = (joint * pair_mask[..., None]).sum(axis=(0, 1))
    n_pairs = pair_mask.sum()
    # ---- BigramKLLoss.finalize ----
    n = jnp.maximum(n_pairs, 1.0)
    model_top = jnp.clip(topk_sum / n, 1e-12, None)
    model_oov = jnp.clip(1.0 - model_top.sum(), 1e-12, 1.0 - 1e-8)
    tp = jnp.clip(target_probs, 1e-8, None)
    toov = jnp.maximum(target_oov, 1e-8)
    kl_top = (model_top * (jnp.log(model_top) - jnp.log(tp))).sum()
    kl_oov = model_oov * (jnp.log(model_oov) - jnp.log(toov))
    return kl_top + kl_oov

if __name__ == "__main__":
    import jax
    _d = setup_inputs()
    print(jax.jit(kernel)(*tuple(_d.values())))

</pallas_src>

<mosaic_0001>
#map = affine_map<(d0, d1) -> (0, 0)>
#map1 = affine_map<(d0, d1) -> (0)>
module attributes {stable_mosaic.version = 14 : i64} {
  func.func @_sc_body(%arg0: i32, %arg1: i32, %arg2: memref<2048x32000xf32, #tpu.memory_space<hbm>>, %arg3: memref<16384xi32, #tpu.memory_space<hbm>>, %arg4: memref<32896xf32, #tpu.memory_space<hbm>>, %arg5: memref<32x16384xf32, #tpu.memory_space<hbm>>, %arg6: memref<32000xf32, #tpu.memory_space<vmem>>, %arg7: memref<32000xf32, #tpu.memory_space<vmem>>, %arg8: memref<32000xf32, #tpu.memory_space<vmem>>, %arg9: memref<16384xf32, #tpu.memory_space<vmem>>, %arg10: memref<16384xi32, #tpu.memory_space<vmem>>, %arg11: memref<1056xf32, #tpu.memory_space<vmem>>, %arg12: memref<!tpu.dma_semaphore, #tpu.memory_space<semaphore_mem>>, %arg13: memref<!tpu.dma_semaphore, #tpu.memory_space<semaphore_mem>>, %arg14: memref<!tpu.dma_semaphore, #tpu.memory_space<semaphore_mem>>) attributes {dimension_semantics = [#tpu.dimension_semantics<core_parallel>, #tpu.dimension_semantics<subcore_parallel>], iteration_bounds = array<i64: 2, 16>, scalar_prefetch = 0 : i64, scratch_operands = 9 : i64, tpu.core_type = #tpu.core_type<sc_vector_subcore>, window_params = [{transform_indices = #map}, {transform_indices = #map1}, {transform_indices = #map1}, {transform_indices = #map}]} {
    %mul3A = arith.constant 2 : i32
    %mul3A_0 = arith.muli %arg1, %mul3A : i32
    %add3A = arith.addi %mul3A_0, %arg0 : i32
    %mul3A_1 = arith.constant 64 : i32
    %mul3A_2 = arith.muli %mul3A_1, %add3A : i32
    %add3A_3 = arith.constant 1 : i32
    %add3A_4 = arith.addi %add3A_3, %mul3A_2 : i32
    %sub3A = arith.constant 1 : i32
    %sub3A_5 = arith.subi %add3A_4, %sub3A : i32
    %add3A_6 = arith.constant 0 : i32
    %add3A_7 = arith.addi %sub3A_5, %add3A_6 : i32
    %min3A = arith.constant 2047 : i32
    %min3A_8 = arith.minsi %add3A_7, %min3A : i32
    %dma_start3A = arith.constant 0 : i32
    %dma_start3A_9 = tpu.memref_slice %arg2[%min3A_8, %dma_start3A] : memref<2048x32000xf32, #tpu.memory_space<hbm>> -> memref<1x32000xf32, #tpu.memory_space<hbm>>
    %dma_start3A_10 = tpu.memref_squeeze %dma_start3A_9 : memref<1x32000xf32, #tpu.memory_space<hbm>> -> memref<32000xf32, #tpu.memory_space<hbm>>
    %dma_start3A_11 = arith.constant 0 : i32
    %dma_start3A_12 = tpu.memref_slice %arg2[%min3A_8, %dma_start3A_11] : memref<2048x32000xf32, #tpu.memory_space<hbm>> -> memref<1x32000xf32, #tpu.memory_space<hbm>>
    %dma_start3A_13 = tpu.memref_squeeze %dma_start3A_12 : memref<1x32000xf32, #tpu.memory_space<hbm>> -> memref<32000xf32, #tpu.memory_space<hbm>>
    tpu.enqueue_dma source(%dma_start3A_13 : memref<32000xf32, #tpu.memory_space<hbm>>) target(%arg6 : memref<32000xf32, #tpu.memory_space<vmem>>) target_semaphore(%arg12 : memref<!tpu.dma_semaphore, #tpu.memory_space<semaphore_mem>>)
    %sub3A_14 = arith.constant 1 : i32
    %sub3A_15 = arith.subi %add3A_4, %sub3A_14 : i32
    %add3A_16 = arith.constant 1 : i32
    %add3A_17 = arith.addi %sub3A_15, %add3A_16 : i32
    %min3A_18 = arith.constant 2047 : i32
    %min3A_19 = arith.minsi %add3A_17, %min3A_18 : i32
    %dma_start3A_20 = arith.constant 0 : i32
    %dma_start3A_21 = tpu.memref_slice %arg2[%min3A_19, %dma_start3A_20] : memref<2048x32000xf32, #tpu.memory_space<hbm>> -> memref<1x32000xf32, #tpu.memory_space<hbm>>
    %dma_start3A_22 = tpu.memref_squeeze %dma_start3A_21 : memref<1x32000xf32, #tpu.memory_space<hbm>> -> memref<32000xf32, #tpu.memory_space<hbm>>
    %dma_start3A_23 = arith.constant 0 : i32
    %dma_start3A_24 = tpu.memref_slice %arg2[%min3A_19, %dma_start3A_23] : memref<2048x32000xf32, #tpu.memory_space<hbm>> -> memref<1x32000xf32, #tpu.memory_space<hbm>>
    %dma_start3A_25 = tpu.memref_squeeze %dma_start3A_24 : memref<1x32000xf32, #tpu.memory_space<hbm>> -> memref<32000xf32, #tpu.memory_space<hbm>>
    tpu.enqueue_dma source(%dma_start3A_25 : memref<32000xf32, #tpu.memory_space<hbm>>) target(%arg7 : memref<32000xf32, #tpu.memory_space<vmem>>) target_semaphore(%arg13 : memref<!tpu.dma_semaphore, #tpu.memory_space<semaphore_mem>>)
    tpu.enqueue_dma source(%arg3 : memref<16384xi32, #tpu.memory_space<hbm>>) target(%arg10 : memref<16384xi32, #tpu.memory_space<vmem>>) target_semaphore(%arg14 : memref<!tpu.dma_semaphore, #tpu.memory_space<semaphore_mem>>)
    %mul3A_26 = arith.constant 16 : i32
    %mul3A_27 = arith.muli %add3A_4, %mul3A_26 : i32
    "tpu.region"() ({
      %run_scoped3A = tpu.sem_alloc : memref<!tpu.dma_semaphore, #tpu.memory_space<semaphore_mem>>
      %dma_start3A_58 = tpu.memref_slice %arg4[%mul3A_27] : memref<32896xf32, #tpu.memory_space<hbm>> -> memref<1056xf32, #tpu.memory_space<hbm>>
      %dma_start3A_59 = tpu.memref_slice %arg4[%mul3A_27] : memref<32896xf32, #tpu.memory_space<hbm>> -> memref<1056xf32, #tpu.memory_space<hbm>>
      tpu.enqueue_dma source(%dma_start3A_59 : memref<1056xf32, #tpu.memory_space<hbm>>) target(%arg11 : memref<1056xf32, #tpu.memory_space<vmem>>) target_semaphore(%run_scoped3A : memref<!tpu.dma_semaphore, #tpu.memory_space<semaphore_mem>>)
      %dma_wait3A_60 = tpu.memref_slice %arg4[%mul3A_27] : memref<32896xf32, #tpu.memory_space<hbm>> -> memref<1056xf32, #tpu.memory_space<hbm>>
      %dma_wait3A_61 = tpu.memref_slice %arg4[%mul3A_27] : memref<32896xf32, #tpu.memory_space<hbm>> -> memref<1056xf32, #tpu.memory_space<hbm>>
      tpu.wait_dma2 semaphore(%run_scoped3A : memref<!tpu.dma_semaphore, #tpu.memory_space<semaphore_mem>>) src(%dma_wait3A_61 : memref<1056xf32, #tpu.memory_space<hbm>>) dst(%arg11 : memref<1056xf32, #tpu.memory_space<vmem>>)
      tpu.yield
    }) : () -> ()
    %broadcast_in_dim3A = arith.constant 0.000000e+00 : f32
    %broadcast_in_dim3A_28 = vector.broadcast %broadcast_in_dim3A : f32 to vector<16xf32>
    %parallel_loop3A = arith.constant 0 : i32
    %parallel_loop3A_29 = arith.constant 1024 : i32
    %parallel_loop3A_30 = arith.constant 1 : i32
    scf.for %parallel_loop3A_58 = %parallel_loop3A to %parallel_loop3A_29 step %parallel_loop3A_30  : i32 {
      %parallel_loop3A_59 = arith.constant 16 : i32
      %parallel_loop3A_60 = arith.muli %parallel_loop3A_58, %parallel_loop3A_59 : i32
      %parallel_loop3A_61 = tpu.assume_multiple %parallel_loop3A_60, 16 : i32
      %parallel_loop3A_62 = arith.index_cast %parallel_loop3A_61 : i32 to index
      %parallel_loop3A_63 = tpu.vector_load %arg9[%parallel_loop3A_62] {strides = array<i32>} : memref<16384xf32, #tpu.memory_space<vmem>>, vector<16xf32>,
      tpu.vector_store %arg9[%parallel_loop3A_62], %broadcast_in_dim3A_28 {strides = array<i32>} : memref<16384xf32, #tpu.memory_space<vmem>>, vector<16xf32>,
    } {sc.loop_unroll_factor = 8 : i64, sc.parallel_access}
    tpu.wait_dma2 semaphore(%arg14 : memref<!tpu.dma_semaphore, #tpu.memory_space<semaphore_mem>>) src(%arg3 : memref<16384xi32, #tpu.memory_space<hbm>>) dst(%arg10 : memref<16384xi32, #tpu.memory_space<vmem>>)
    %sub3A_31 = arith.constant 1 : i32
    %sub3A_32 = arith.subi %add3A_4, %sub3A_31 : i32
    %add3A_33 = arith.constant 0 : i32
    %add3A_34 = arith.addi %sub3A_32, %add3A_33 : i32
    %min3A_35 = arith.constant 2047 : i32
    %min3A_36 = arith.minsi %add3A_34, %min3A_35 : i32
    %dma_wait3A = arith.constant 0 : i32
    %dma_wait3A_37 = tpu.memref_slice %arg2[%min3A_36, %dma_wait3A] : memref<2048x32000xf32, #tpu.memory_space<hbm>> -> memref<1x32000xf32, #tpu.memory_space<hbm>>
    %dma_wait3A_38 = tpu.memref_squeeze %dma_wait3A_37 : memref<1x32000xf32, #tpu.memory_space<hbm>> -> memref<32000xf32, #tpu.memory_space<hbm>>
    %dma_wait3A_39 = arith.constant 0 : i32
    %dma_wait3A_40 = tpu.memref_slice %arg2[%min3A_36, %dma_wait3A_39] : memref<2048x32000xf32, #tpu.memory_space<hbm>> -> memref<1x32000xf32, #tpu.memory_space<hbm>>
    %dma_wait3A_41 = tpu.memref_squeeze %dma_wait3A_40 : memref<1x32000xf32, #tpu.memory_space<hbm>> -> memref<32000xf32, #tpu.memory_space<hbm>>
    tpu.wait_dma2 semaphore(%arg12 : memref<!tpu.dma_semaphore, #tpu.memory_space<semaphore_mem>>) src(%dma_wait3A_41 : memref<32000xf32, #tpu.memory_space<hbm>>) dst(%arg6 : memref<32000xf32, #tpu.memory_space<vmem>>)
    %scan3A = arith.constant 0 : i32
    %scan3A_42 = arith.constant 22 : i32
    %scan3A_43 = arith.addi %scan3A, %scan3A_42 : i32
    %scan3A_44 = arith.constant 1 : i32
    scf.for %scan3A_58 = %scan3A to %scan3A_43 step %scan3A_44  : i32 {
      %mul3A_59 = arith.constant 1 : i32
      %mul3A_60 = arith.muli %scan3A_58, %mul3A_59 : i32
      %add3A_61 = arith.constant 0 : i32
      %add3A_62 = arith.addi %add3A_61, %mul3A_60 : i32
      %mul3A_63 = arith.constant 3 : i32
      %mul3A_64 = arith.muli %add3A_62, %mul3A_63 : i32
      %add3A_65 = arith.constant 0 : i32
      %add3A_66 = arith.addi %mul3A_64, %add3A_65 : i32
      %add3A_67 = arith.constant 2 : i32
      %add3A_68 = arith.addi %add3A_66, %add3A_67 : i32
      %sub3A_69 = arith.constant 1 : i32
      %sub3A_70 = arith.subi %add3A_4, %sub3A_69 : i32
      %add3A_71 = arith.addi %sub3A_70, %add3A_68 : i32
      %min3A_72 = arith.constant 2047 : i32
      %min3A_73 = arith.minsi %add3A_71, %min3A_72 : i32
      %dma_start3A_74 = arith.constant 0 : i32
      %dma_start3A_75 = tpu.memref_slice %arg2[%min3A_73, %dma_start3A_74] : memref<2048x32000xf32, #tpu.memory_space<hbm>> -> memref<1x32000xf32, #tpu.memory_space<hbm>>
      %dma_start3A_76 = tpu.memref_squeeze %dma_start3A_75 : memref<1x32000xf32, #tpu.memory_space<hbm>> -> memref<32000xf32, #tpu.memory_space<hbm>>
      %dma_start3A_77 = arith.constant 0 : i32
      %dma_start3A_78 = tpu.memref_slice %arg2[%min3A_73, %dma_start3A_77] : memref<2048x32000xf32, #tpu.memory_space<hbm>> -> memref<1x32000xf32, #tpu.memory_space<hbm>>
      %dma_start3A_79 = tpu.memref_squeeze %dma_start3A_78 : memref<1x32000xf32, #tpu.memory_space<hbm>> -> memref<32000xf32, #tpu.memory_space<hbm>>
      tpu.enqueue_dma source(%dma_start3A_79 : memref<32000xf32, #tpu.memory_space<hbm>>) target(%arg8 : memref<32000xf32, #tpu.memory_space<vmem>>) target_semaphore(%arg14 : memref<!tpu.dma_semaphore, #tpu.memory_space<semaphore_mem>>)
      %add3A_80 = arith.constant 1 : i32
      %add3A_81 = arith.addi %add3A_66, %add3A_80 : i32
      %sub3A_82 = arith.constant 1 : i32
      %sub3A_83 = arith.subi %add3A_4, %sub3A_82 : i32
      %add3A_84 = arith.addi %sub3A_83, %add3A_81 : i32
      %min3A_85 = arith.constant 2047 : i32
      %min3A_86 = arith.minsi %add3A_84, %min3A_85 : i32
      %dma_wait3A_87 = arith.constant 0 : i32
      %dma_wait3A_88 = tpu.memref_slice %arg2[%min3A_86, %dma_wait3A_87] : memref<2048x32000xf32, #tpu.memory_space<hbm>> -> memref<1x32000xf32, #tpu.memory_space<hbm>>
      %dma_wait3A_89 = tpu.memref_squeeze %dma_wait3A_88 : memref<1x32000xf32, #tpu.memory_space<hbm>> -> memref<32000xf32, #tpu.memory_space<hbm>>
      %dma_wait3A_90 = arith.constant 0 : i32
      %dma_wait3A_91 = tpu.memref_slice %arg2[%min3A_86, %dma_wait3A_90] : memref<2048x32000xf32, #tpu.memory_space<hbm>> -> memref<1x32000xf32, #tpu.memory_space<hbm>>
      %dma_wait3A_92 = tpu.memref_squeeze %dma_wait3A_91 : memref<1x32000xf32, #tpu.memory_space<hbm>> -> memref<32000xf32, #tpu.memory_space<hbm>>
      tpu.wait_dma2 semaphore(%arg13 : memref<!tpu.dma_semaphore, #tpu.memory_space<semaphore_mem>>) src(%dma_wait3A_92 : memref<32000xf32, #tpu.memory_space<hbm>>) dst(%arg7 : memref<32000xf32, #tpu.memory_space<vmem>>)
      %mul3A_93 = arith.constant 16 : i32
      %mul3A_94 = arith.muli %add3A_66, %mul3A_93 : i32
      %multiple_of3A = tpu.assume_multiple %mul3A_94, 16 : i32
      %get3A = arith.index_cast %multiple_of3A : i32 to index
      %get3A_95 = tpu.vector_load %arg11[%get3A] {strides = array<i32>} : memref<1056xf32, #tpu.memory_space<vmem>>, vector<16xf32>,
      %reduce_sum3A = arith.constant true
      %reduce_sum3A_96 = vector.broadcast %reduce_sum3A : i1 to vector<16xi1>
      %reduce_sum3A_97 = tpu.scan <sum>, %get3A_95 masked %reduce_sum3A_96 : vector<16xf32>, vector<16xi1> -> vector<16xf32>
      %reduce_sum3A_98 = vector.extract %reduce_sum3A_97[15] : f32 from vector<16xf32>
      %gt3A = arith.constant 0.000000e+00 : f32
      %gt3A_99 = arith.cmpf ogt, %reduce_sum3A_98, %gt3A : f32
      %convert_element_type3A = arith.extui %gt3A_99 : i1 to i32
      %cond3A = arith.constant 0 : i32
      %cond3A_100 = arith.cmpi ne, %convert_element_type3A, %cond3A : i32
      scf.if %cond3A_100 {
        %parallel_loop3A_189 = arith.constant 0 : i32
        %parallel_loop3A_190 = arith.constant 1024 : i32
        %parallel_loop3A_191 = arith.constant 1 : i32
        scf.for %parallel_loop3A_192 = %parallel_loop3A_189 to %parallel_loop3A_190 step %parallel_loop3A_191  : i32 {
          %parallel_loop3A_193 = arith.constant 16 : i32
          %parallel_loop3A_194 = arith.muli %parallel_loop3A_192, %parallel_loop3A_193 : i32
          %parallel_loop3A_195 = tpu.assume_multiple %parallel_loop3A_194, 16 : i32
          %parallel_loop3A_196 = arith.index_cast %parallel_loop3A_195 : i32 to index
          %parallel_loop3A_197 = tpu.vector_load %arg10[%parallel_loop3A_196] {strides = array<i32>} : memref<16384xi32, #tpu.memory_space<vmem>>, vector<16xi32>,
          %parallel_loop3A_198 = arith.constant 65535 : i32
          %parallel_loop3A_199 = vector.broadcast %parallel_loop3A_198 : i32 to vector<16xi32>
          %parallel_loop3A_200 = arith.andi %parallel_loop3A_197, %parallel_loop3A_199 : vector<16xi32>
          %parallel_loop3A_201 = arith.constant 16 : i32
          %parallel_loop3A_202 = vector.broadcast %parallel_loop3A_201 : i32 to vector<16xi32>
          %parallel_loop3A_203 = arith.shrui %parallel_loop3A_197, %parallel_loop3A_202 : vector<16xi32>
          %parallel_loop3A_204 = tpu.vector_load_idx %arg6[%parallel_loop3A_200] : memref<32000xf32, #tpu.memory_space<vmem>>[vector<16xi32>], vector<16xf32>,
          %parallel_loop3A_205 = tpu.vector_load_idx %arg7[%parallel_loop3A_203] : memref<32000xf32, #tpu.memory_space<vmem>>[vector<16xi32>], vector<16xf32>,
          %parallel_loop3A_206 = arith.mulf %parallel_loop3A_204, %parallel_loop3A_205 : vector<16xf32>
          %parallel_loop3A_207 = arith.index_cast %parallel_loop3A_195 : i32 to index
          %parallel_loop3A_208 = tpu.vector_load %arg9[%parallel_loop3A_207] {strides = array<i32>} : memref<16384xf32, #tpu.memory_space<vmem>>, vector<16xf32>,
          tpu.vector_store %arg9[%parallel_loop3A_207], %parallel_loop3A_206 {add = true, strides = array<i32>} : memref<16384xf32, #tpu.memory_space<vmem>>, vector<16xf32>,
        } {sc.loop_unroll_factor = 8 : i64, sc.parallel_access}
      } else {
      }
      %mul3A_101 = arith.constant 3 : i32
      %mul3A_102 = arith.muli %add3A_62, %mul3A_101 : i32
      %add3A_103 = arith.constant 1 : i32
      %add3A_104 = arith.addi %mul3A_102, %add3A_103 : i32
      %add3A_105 = arith.constant 2 : i32
      %add3A_106 = arith.addi %add3A_104, %add3A_105 : i32
      %sub3A_107 = arith.constant 1 : i32
      %sub3A_108 = arith.subi %add3A_4, %sub3A_107 : i32
      %add3A_109 = arith.addi %sub3A_108, %add3A_106 : i32
      %min3A_110 = arith.constant 2047 : i32
      %min3A_111 = arith.minsi %add3A_109, %min3A_110 : i32
      %dma_start3A_112 = arith.constant 0 : i32
      %dma_start3A_113 = tpu.memref_slice %arg2[%min3A_111, %dma_start3A_112] : memref<2048x32000xf32, #tpu.memory_space<hbm>> -> memref<1x32000xf32, #tpu.memory_space<hbm>>
      %dma_start3A_114 = tpu.memref_squeeze %dma_start3A_113 : memref<1x32000xf32, #tpu.memory_space<hbm>> -> memref<32000xf32, #tpu.memory_space<hbm>>
      %dma_start3A_115 = arith.constant 0 : i32
      %dma_start3A_116 = tpu.memref_slice %arg2[%min3A_111, %dma_start3A_115] : memref<2048x32000xf32, #tpu.memory_space<hbm>> -> memref<1x32000xf32, #tpu.memory_space<hbm>>
      %dma_start3A_117 = tpu.memref_squeeze %dma_start3A_116 : memref<1x32000xf32, #tpu.memory_space<hbm>> -> memref<32000xf32, #tpu.memory_space<hbm>>
      tpu.enqueue_dma source(%dma_start3A_117 : memref<32000xf32, #tpu.memory_space<hbm>>) target(%arg6 : memref<32000xf32, #tpu.memory_space<vmem>>) target_semaphore(%arg12 : memref<!tpu.dma_semaphore, #tpu.memory_space<semaphore_mem>>)
      %add3A_118 = arith.constant 1 : i32
      %add3A_119 = arith.addi %add3A_104, %add3A_118 : i32
      %sub3A_120 = arith.constant 1 : i32
      %sub3A_121 = arith.subi %add3A_4, %sub3A_120 : i32
      %add3A_122 = arith.addi %sub3A_121, %add3A_119 : i32
      %min3A_123 = arith.constant 2047 : i32
      %min3A_124 = arith.minsi %add3A_122, %min3A_123 : i32
      %dma_wait3A_125 = arith.constant 0 : i32
      %dma_wait3A_126 = tpu.memref_slice %arg2[%min3A_124, %dma_wait3A_125] : memref<2048x32000xf32, #tpu.memory_space<hbm>> -> memref<1x32000xf32, #tpu.memory_space<hbm>>
      %dma_wait3A_127 = tpu.memref_squeeze %dma_wait3A_126 : memref<1x32000xf32, #tpu.memory_space<hbm>> -> memref<32000xf32, #tpu.memory_space<hbm>>
      %dma_wait3A_128 = arith.constant 0 : i32
      %dma_wait3A_129 = tpu.memref_slice %arg2[%min3A_124, %dma_wait3A_128] : memref<2048x32000xf32, #tpu.memory_space<hbm>> -> memref<1x32000xf32, #tpu.memory_space<hbm>>
      %dma_wait3A_130 = tpu.memref_squeeze %dma_wait3A_129 : memref<1x32000xf32, #tpu.memory_space<hbm>> -> memref<32000xf32, #tpu.memory_space<hbm>>
      tpu.wait_dma2 semaphore(%arg14 : memref<!tpu.dma_semaphore, #tpu.memory_space<semaphore_mem>>) src(%dma_wait3A_130 : memref<32000xf32, #tpu.memory_space<hbm>>) dst(%arg8 : memref<32000xf32, #tpu.memory_space<vmem>>)
      %mul3A_131 = arith.constant 16 : i32
      %mul3A_132 = arith.muli %add3A_104, %mul3A_131 : i32
      %multiple_of3A_133 = tpu.assume_multiple %mul3A_132, 16 : i32
      %get3A_134 = arith.index_cast %multiple_of3A_133 : i32 to index
      %get3A_135 = tpu.vector_load %arg11[%get3A_134] {strides = array<i32>} : memref<1056xf32, #tpu.memory_space<vmem>>, vector<16xf32>,
      %reduce_sum3A_136 = arith.constant true
      %reduce_sum3A_137 = vector.broadcast %reduce_sum3A_136 : i1 to vector<16xi1>
      %reduce_sum3A_138 = tpu.scan <sum>, %get3A_135 masked %reduce_sum3A_137 : vector<16xf32>, vector<16xi1> -> vector<16xf32>
      %reduce_sum3A_139 = vector.extract %reduce_sum3A_138[15] : f32 from vector<16xf32>
      %gt3A_140 = arith.constant 0.000000e+00 : f32
      %gt3A_141 = arith.cmpf ogt, %reduce_sum3A_139, %gt3A_140 : f32
      %convert_element_type3A_142 = arith.extui %gt3A_141 : i1 to i32
      %cond3A_143 = arith.constant 0 : i32
      %cond3A_144 = arith.cmpi ne, %convert_element_type3A_142, %cond3A_143 : i32
      scf.if %cond3A_144 {
        %parallel_loop3A_189 = arith.constant 0 : i32
        %parallel_loop3A_190 = arith.constant 1024 : i32
        %parallel_loop3A_191 = arith.constant 1 : i32
        scf.for %parallel_loop3A_192 = %parallel_loop3A_189 to %parallel_loop3A_190 step %parallel_loop3A_191  : i32 {
          %parallel_loop3A_193 = arith.constant 16 : i32
          %parallel_loop3A_194 = arith.muli %parallel_loop3A_192, %parallel_loop3A_193 : i32
          %parallel_loop3A_195 = tpu.assume_multiple %parallel_loop3A_194, 16 : i32
          %parallel_loop3A_196 = arith.index_cast %parallel_loop3A_195 : i32 to index
          %parallel_loop3A_197 = tpu.vector_load %arg10[%parallel_loop3A_196] {strides = array<i32>} : memref<16384xi32, #tpu.memory_space<vmem>>, vector<16xi32>,
          %parallel_loop3A_198 = arith.constant 65535 : i32
          %parallel_loop3A_199 = vector.broadcast %parallel_loop3A_198 : i32 to vector<16xi32>
          %parallel_loop3A_200 = arith.andi %parallel_loop3A_197, %parallel_loop3A_199 : vector<16xi32>
          %parallel_loop3A_201 = arith.constant 16 : i32
          %parallel_loop3A_202 = vector.broadcast %parallel_loop3A_201 : i32 to vector<16xi32>
          %parallel_loop3A_203 = arith.shrui %parallel_loop3A_197, %parallel_loop3A_202 : vector<16xi32>
          %parallel_loop3A_204 = tpu.vector_load_idx %arg7[%parallel_loop3A_200] : memref<32000xf32, #tpu.memory_space<vmem>>[vector<16xi32>], vector<16xf32>,
          %parallel_loop3A_205 = tpu.vector_load_idx %arg8[%parallel_loop3A_203] : memref<32000xf32, #tpu.memory_space<vmem>>[vector<16xi32>], vector<16xf32>,
          %parallel_loop3A_206 = arith.mulf %parallel_loop3A_204, %parallel_loop3A_205 : vector<16xf32>
          %parallel_loop3A_207 = arith.index_cast %parallel_loop3A_195 : i32 to index
          %parallel_loop3A_208 = tpu.vector_load %arg9[%parallel_loop3A_207] {strides = array<i32>} : memref<16384xf32, #tpu.memory_space<vmem>>, vector<16xf32>,
          tpu.vector_store %arg9[%parallel_loop3A_207], %parallel_loop3A_206 {add = true, strides = array<i32>} : memref<16384xf32, #tpu.memory_space<vmem>>, vector<16xf32>,
        } {sc.loop_unroll_factor = 8 : i64, sc.parallel_access}
      } else {
      }
      %mul3A_145 = arith.constant 3 : i32
      %mul3A_146 = arith.muli %add3A_62, %mul3A_145 : i32
      %add3A_147 = arith.constant 2 : i32
      %add3A_148 = arith.addi %mul3A_146, %add3A_147 : i32
      %add3A_149 = arith.constant 2 : i32
      %add3A_150 = arith.addi %add3A_148, %add3A_149 : i32
      %sub3A_151 = arith.constant 1 : i32
      %sub3A_152 = arith.subi %add3A_4, %sub3A_151 : i32
      %add3A_153 = arith.addi %sub3A_152, %add3A_150 : i32
      %min3A_154 = arith.constant 2047 : i32
      %min3A_155 = arith.minsi %add3A_153, %min3A_154 : i32
      %dma_start3A_156 = arith.constant 0 : i32
      %dma_start3A_157 = tpu.memref_slice %arg2[%min3A_155, %dma_start3A_156] : memref<2048x32000xf32, #tpu.memory_space<hbm>> -> memref<1x32000xf32, #tpu.memory_space<hbm>>
      %dma_start3A_158 = tpu.memref_squeeze %dma_start3A_157 : memref<1x32000xf32, #tpu.memory_space<hbm>> -> memref<32000xf32, #tpu.memory_space<hbm>>
      %dma_start3A_159 = arith.constant 0 : i32
      %dma_start3A_160 = tpu.memref_slice %arg2[%min3A_155, %dma_start3A_159] : memref<2048x32000xf32, #tpu.memory_space<hbm>> -> memref<1x32000xf32, #tpu.memory_space<hbm>>
      %dma_start3A_161 = tpu.memref_squeeze %dma_start3A_160 : memref<1x32000xf32, #tpu.memory_space<hbm>> -> memref<32000xf32, #tpu.memory_space<hbm>>
      tpu.enqueue_dma source(%dma_start3A_161 : memref<32000xf32, #tpu.memory_space<hbm>>) target(%arg7 : memref<32000xf32, #tpu.memory_space<vmem>>) target_semaphore(%arg13 : memref<!tpu.dma_semaphore, #tpu.memory_space<semaphore_mem>>)
      %add3A_162 = arith.constant 1 : i32
      %add3A_163 = arith.addi %add3A_148, %add3A_162 : i32
      %sub3A_164 = arith.constant 1 : i32
      %sub3A_165 = arith.subi %add3A_4, %sub3A_164 : i32
      %add3A_166 = arith.addi %sub3A_165, %add3A_163 : i32
      %min3A_167 = arith.constant 2047 : i32
      %min3A_168 = arith.minsi %add3A_166, %min3A_167 : i32
      %dma_wait3A_169 = arith.constant 0 : i32
      %dma_wait3A_170 = tpu.memref_slice %arg2[%min3A_168, %dma_wait3A_169] : memref<2048x32000xf32, #tpu.memory_space<hbm>> -> memref<1x32000xf32, #tpu.memory_space<hbm>>
      %dma_wait3A_171 = tpu.memref_squeeze %dma_wait3A_170 : memref<1x32000xf32, #tpu.memory_space<hbm>> -> memref<32000xf32, #tpu.memory_space<hbm>>
      %dma_wait3A_172 = arith.constant 0 : i32
      %dma_wait3A_173 = tpu.memref_slice %arg2[%min3A_168, %dma_wait3A_172] : memref<2048x32000xf32, #tpu.memory_space<hbm>> -> memref<1x32000xf32, #tpu.memory_space<hbm>>
      %dma_wait3A_174 = tpu.memref_squeeze %dma_wait3A_173 : memref<1x32000xf32, #tpu.memory_space<hbm>> -> memref<32000xf32, #tpu.memory_space<hbm>>
      tpu.wait_dma2 semaphore(%arg12 : memref<!tpu.dma_semaphore, #tpu.memory_space<semaphore_mem>>) src(%dma_wait3A_174 : memref<32000xf32, #tpu.memory_space<hbm>>) dst(%arg6 : memref<32000xf32, #tpu.memory_space<vmem>>)
      %mul3A_175 = arith.constant 16 : i32
      %mul3A_176 = arith.muli %add3A_148, %mul3A_175 : i32
      %multiple_of3A_177 = tpu.assume_multiple %mul3A_176, 16 : i32
      %get3A_178 = arith.index_cast %multiple_of3A_177 : i32 to index
      %get3A_179 = tpu.vector_load %arg11[%get3A_178] {strides = array<i32>} : memref<1056xf32, #tpu.memory_space<vmem>>, vector<16xf32>,
      %reduce_sum3A_180 = arith.constant true
      %reduce_sum3A_181 = vector.broadcast %reduce_sum3A_180 : i1 to vector<16xi1>
      %reduce_sum3A_182 = tpu.scan <sum>, %get3A_179 masked %reduce_sum3A_181 : vector<16xf32>, vector<16xi1> -> vector<16xf32>
      %reduce_sum3A_183 = vector.extract %reduce_sum3A_182[15] : f32 from vector<16xf32>
      %gt3A_184 = arith.constant 0.000000e+00 : f32
      %gt3A_185 = arith.cmpf ogt, %reduce_sum3A_183, %gt3A_184 : f32
      %convert_element_type3A_186 = arith.extui %gt3A_185 : i1 to i32
      %cond3A_187 = arith.constant 0 : i32
      %cond3A_188 = arith.cmpi ne, %convert_element_type3A_186, %cond3A_187 : i32
      scf.if %cond3A_188 {
        %parallel_loop3A_189 = arith.constant 0 : i32
        %parallel_loop3A_190 = arith.constant 1024 : i32
        %parallel_loop3A_191 = arith.constant 1 : i32
        scf.for %parallel_loop3A_192 = %parallel_loop3A_189 to %parallel_loop3A_190 step %parallel_loop3A_191  : i32 {
          %parallel_loop3A_193 = arith.constant 16 : i32
          %parallel_loop3A_194 = arith.muli %parallel_loop3A_192, %parallel_loop3A_193 : i32
          %parallel_loop3A_195 = tpu.assume_multiple %parallel_loop3A_194, 16 : i32
          %parallel_loop3A_196 = arith.index_cast %parallel_loop3A_195 : i32 to index
          %parallel_loop3A_197 = tpu.vector_load %arg10[%parallel_loop3A_196] {strides = array<i32>} : memref<16384xi32, #tpu.memory_space<vmem>>, vector<16xi32>,
          %parallel_loop3A_198 = arith.constant 65535 : i32
          %parallel_loop3A_199 = vector.broadcast %parallel_loop3A_198 : i32 to vector<16xi32>
          %parallel_loop3A_200 = arith.andi %parallel_loop3A_197, %parallel_loop3A_199 : vector<16xi32>
          %parallel_loop3A_201 = arith.constant 16 : i32
          %parallel_loop3A_202 = vector.broadcast %parallel_loop3A_201 : i32 to vector<16xi32>
          %parallel_loop3A_203 = arith.shrui %parallel_loop3A_197, %parallel_loop3A_202 : vector<16xi32>
          %parallel_loop3A_204 = tpu.vector_load_idx %arg8[%parallel_loop3A_200] : memref<32000xf32, #tpu.memory_space<vmem>>[vector<16xi32>], vector<16xf32>,
          %parallel_loop3A_205 = tpu.vector_load_idx %arg6[%parallel_loop3A_203] : memref<32000xf32, #tpu.memory_space<vmem>>[vector<16xi32>], vector<16xf32>,
          %parallel_loop3A_206 = arith.mulf %parallel_loop3A_204, %parallel_loop3A_205 : vector<16xf32>
          %parallel_loop3A_207 = arith.index_cast %parallel_loop3A_195 : i32 to index
          %parallel_loop3A_208 = tpu.vector_load %arg9[%parallel_loop3A_207] {strides = array<i32>} : memref<16384xf32, #tpu.memory_space<vmem>>, vector<16xf32>,
          tpu.vector_store %arg9[%parallel_loop3A_207], %parallel_loop3A_206 {add = true, strides = array<i32>} : memref<16384xf32, #tpu.memory_space<vmem>>, vector<16xf32>,
        } {sc.loop_unroll_factor = 8 : i64, sc.parallel_access}
      } else {
      }
    }
    %scan3A_45 = arith.constant 22 : i32
    %sub3A_46 = arith.constant 1 : i32
    %sub3A_47 = arith.subi %add3A_4, %sub3A_46 : i32
    %add3A_48 = arith.constant 67 : i32
    %add3A_49 = arith.addi %sub3A_47, %add3A_48 : i32
    %min3A_50 = arith.constant 2047 : i32
    %min3A_51 = arith.minsi %add3A_49, %min3A_50 : i32
    %dma_wait3A_52 = arith.constant 0 : i32
    %dma_wait3A_53 = tpu.memref_slice %arg2[%min3A_51, %dma_wait3A_52] : memref<2048x32000xf32, #tpu.memory_space<hbm>> -> memref<1x32000xf32, #tpu.memory_space<hbm>>
    %dma_wait3A_54 = tpu.memref_squeeze %dma_wait3A_53 : memref<1x32000xf32, #tpu.memory_space<hbm>> -> memref<32000xf32, #tpu.memory_space<hbm>>
    %dma_wait3A_55 = arith.constant 0 : i32
    %dma_wait3A_56 = tpu.memref_slice %arg2[%min3A_51, %dma_wait3A_55] : memref<2048x32000xf32, #tpu.memory_space<hbm>> -> memref<1x32000xf32, #tpu.memory_space<hbm>>
    %dma_wait3A_57 = tpu.memref_squeeze %dma_wait3A_56 : memref<1x32000xf32, #tpu.memory_space<hbm>> -> memref<32000xf32, #tpu.memory_space<hbm>>
    tpu.wait_dma2 semaphore(%arg13 : memref<!tpu.dma_semaphore, #tpu.memory_space<semaphore_mem>>) src(%dma_wait3A_57 : memref<32000xf32, #tpu.memory_space<hbm>>) dst(%arg7 : memref<32000xf32, #tpu.memory_space<vmem>>)
    "tpu.region"() ({
      %run_scoped3A = tpu.sem_alloc : memref<!tpu.dma_semaphore, #tpu.memory_space<semaphore_mem>>
      %dma_start3A_58 = arith.constant 0 : i32
      %dma_start3A_59 = tpu.memref_slice %arg5[%add3A, %dma_start3A_58] : memref<32x16384xf32, #tpu.memory_space<hbm>> -> memref<1x16384xf32, #tpu.memory_space<hbm>>
      %dma_start3A_60 = tpu.memref_squeeze %dma_start3A_59 : memref<1x16384xf32, #tpu.memory_space<hbm>> -> memref<16384xf32, #tpu.memory_space<hbm>>
      %dma_start3A_61 = arith.constant 0 : i32
      %dma_start3A_62 = tpu.memref_slice %arg5[%add3A, %dma_start3A_61] : memref<32x16384xf32, #tpu.memory_space<hbm>> -> memref<1x16384xf32, #tpu.memory_space<hbm>>
      %dma_start3A_63 = tpu.memref_squeeze %dma_start3A_62 : memref<1x16384xf32, #tpu.memory_space<hbm>> -> memref<16384xf32, #tpu.memory_space<hbm>>
      tpu.enqueue_dma source(%arg9 : memref<16384xf32, #tpu.memory_space<vmem>>) target(%dma_start3A_63 : memref<16384xf32, #tpu.memory_space<hbm>>) target_semaphore(%run_scoped3A : memref<!tpu.dma_semaphore, #tpu.memory_space<semaphore_mem>>)
      %dma_wait3A_64 = arith.constant 0 : i32
      %dma_wait3A_65 = tpu.memref_slice %arg5[%add3A, %dma_wait3A_64] : memref<32x16384xf32, #tpu.memory_space<hbm>> -> memref<1x16384xf32, #tpu.memory_space<hbm>>
      %dma_wait3A_66 = tpu.memref_squeeze %dma_wait3A_65 : memref<1x16384xf32, #tpu.memory_space<hbm>> -> memref<16384xf32, #tpu.memory_space<hbm>>
      %dma_wait3A_67 = arith.constant 0 : i32
      %dma_wait3A_68 = tpu.memref_slice %arg5[%add3A, %dma_wait3A_67] : memref<32x16384xf32, #tpu.memory_space<hbm>> -> memref<1x16384xf32, #tpu.memory_space<hbm>>
      %dma_wait3A_69 = tpu.memref_squeeze %dma_wait3A_68 : memref<1x16384xf32, #tpu.memory_space<hbm>> -> memref<16384xf32, #tpu.memory_space<hbm>>
      tpu.wait_dma2 semaphore(%run_scoped3A : memref<!tpu.dma_semaphore, #tpu.memory_space<semaphore_mem>>) src(%arg9 : memref<16384xf32, #tpu.memory_space<vmem>>) dst(%dma_wait3A_69 : memref<16384xf32, #tpu.memory_space<hbm>>)
      tpu.yield
    }) : () -> ()
    return
  }
}

module attributes {stable_mosaic.version = 14 : i64} {
  func.func @_finalize_body(%arg0: memref<32x128x128xf32, #tpu.memory_space<vmem>>, %arg1: memref<8x1024xf32, #tpu.memory_space<vmem>>, %arg2: memref<128x128xf32, #tpu.memory_space<vmem>>, %arg3: memref<1xf32, #tpu.memory_space<smem>>, %arg4: memref<1xf32, #tpu.memory_space<smem>>) attributes {dimension_semantics = [], scalar_prefetch = 0 : i64, scratch_operands = 0 : i64, tpu.core_type = #tpu.core_type<tc>} {
    %get3A = arith.constant 0 : index
    %get3A_0 = arith.constant 0 : index
    %get3A_1 = arith.constant 0 : index
    %get3A_2 = vector.load %arg0[%get3A, %get3A_0, %get3A_1] : memref<32x128x128xf32, #tpu.memory_space<vmem>>, vector<1x128x128xf32>
    %get3A_3 = vector.shape_cast %get3A_2 : vector<1x128x128xf32> to vector<128x128xf32>
    %get3A_4 = arith.constant 1 : index
    %get3A_5 = arith.constant 0 : index
    %get3A_6 = arith.constant 0 : index
    %get3A_7 = vector.load %arg0[%get3A_4, %get3A_5, %get3A_6] : memref<32x128x128xf32, #tpu.memory_space<vmem>>, vector<1x128x128xf32>
    %get3A_8 = vector.shape_cast %get3A_7 : vector<1x128x128xf32> to vector<128x128xf32>
    %add3A = arith.addf %get3A_3, %get3A_8 : vector<128x128xf32>
    %get3A_9 = arith.constant 2 : index
    %get3A_10 = arith.constant 0 : index
    %get3A_11 = arith.constant 0 : index
    %get3A_12 = vector.load %arg0[%get3A_9, %get3A_10, %get3A_11] : memref<32x128x128xf32, #tpu.memory_space<vmem>>, vector<1x128x128xf32>
    %get3A_13 = vector.shape_cast %get3A_12 : vector<1x128x128xf32> to vector<128x128xf32>
    %add3A_14 = arith.addf %add3A, %get3A_13 : vector<128x128xf32>
    %get3A_15 = arith.constant 3 : index
    %get3A_16 = arith.constant 0 : index
    %get3A_17 = arith.constant 0 : index
    %get3A_18 = vector.load %arg0[%get3A_15, %get3A_16, %get3A_17] : memref<32x128x128xf32, #tpu.memory_space<vmem>>, vector<1x128x128xf32>
    %get3A_19 = vector.shape_cast %get3A_18 : vector<1x128x128xf32> to vector<128x128xf32>
    %add3A_20 = arith.addf %add3A_14, %get3A_19 : vector<128x128xf32>
    %get3A_21 = arith.constant 4 : index
    %get3A_22 = arith.constant 0 : index
    %get3A_23 = arith.constant 0 : index
    %get3A_24 = vector.load %arg0[%get3A_21, %get3A_22, %get3A_23] : memref<32x128x128xf32, #tpu.memory_space<vmem>>, vector<1x128x128xf32>
    %get3A_25 = vector.shape_cast %get3A_24 : vector<1x128x128xf32> to vector<128x128xf32>
    %add3A_26 = arith.addf %add3A_20, %get3A_25 : vector<128x128xf32>
    %get3A_27 = arith.constant 5 : index
    %get3A_28 = arith.constant 0 : index
    %get3A_29 = arith.constant 0 : index
    %get3A_30 = vector.load %arg0[%get3A_27, %get3A_28, %get3A_29] : memref<32x128x128xf32, #tpu.memory_space<vmem>>, vector<1x128x128xf32>
    %get3A_31 = vector.shape_cast %get3A_30 : vector<1x128x128xf32> to vector<128x128xf32>
    %add3A_32 = arith.addf %add3A_26, %get3A_31 : vector<128x128xf32>
    %get3A_33 = arith.constant 6 : index
    %get3A_34 = arith.constant 0 : index
    %get3A_35 = arith.constant 0 : index
    %get3A_36 = vector.load %arg0[%get3A_33, %get3A_34, %get3A_35] : memref<32x128x128xf32, #tpu.memory_space<vmem>>, vector<1x128x128xf32>
    %get3A_37 = vector.shape_cast %get3A_36 : vector<1x128x128xf32> to vector<128x128xf32>
    %add3A_38 = arith.addf %add3A_32, %get3A_37 : vector<128x128xf32>
    %get3A_39 = arith.constant 7 : index
    %get3A_40 = arith.constant 0 : index
    %get3A_41 = arith.constant 0 : index
    %get3A_42 = vector.load %arg0[%get3A_39, %get3A_40, %get3A_41] : memref<32x128x128xf32, #tpu.memory_space<vmem>>, vector<1x128x128xf32>
    %get3A_43 = vector.shape_cast %get3A_42 : vector<1x128x128xf32> to vector<128x128xf32>
    %add3A_44 = arith.addf %add3A_38, %get3A_43 : vector<128x128xf32>
    %get3A_45 = arith.constant 8 : index
    %get3A_46 = arith.constant 0 : index
    %get3A_47 = arith.constant 0 : index
    %get3A_48 = vector.load %arg0[%get3A_45, %get3A_46, %get3A_47] : memref<32x128x128xf32, #tpu.memory_space<vmem>>, vector<1x128x128xf32>
    %get3A_49 = vector.shape_cast %get3A_48 : vector<1x128x128xf32> to vector<128x128xf32>
    %add3A_50 = arith.addf %add3A_44, %get3A_49 : vector<128x128xf32>
    %get3A_51 = arith.constant 9 : index
    %get3A_52 = arith.constant 0 : index
    %get3A_53 = arith.constant 0 : index
    %get3A_54 = vector.load %arg0[%get3A_51, %get3A_52, %get3A_53] : memref<32x128x128xf32, #tpu.memory_space<vmem>>, vector<1x128x128xf32>
    %get3A_55 = vector.shape_cast %get3A_54 : vector<1x128x128xf32> to vector<128x128xf32>
    %add3A_56 = arith.addf %add3A_50, %get3A_55 : vector<128x128xf32>
    %get3A_57 = arith.constant 10 : index
    %get3A_58 = arith.constant 0 : index
    %get3A_59 = arith.constant 0 : index
    %get3A_60 = vector.load %arg0[%get3A_57, %get3A_58, %get3A_59] : memref<32x128x128xf32, #tpu.memory_space<vmem>>, vector<1x128x128xf32>
    %get3A_61 = vector.shape_cast %get3A_60 : vector<1x128x128xf32> to vector<128x128xf32>
    %add3A_62 = arith.addf %add3A_56, %get3A_61 : vector<128x128xf32>
    %get3A_63 = arith.constant 11 : index
    %get3A_64 = arith.constant 0 : index
    %get3A_65 = arith.constant 0 : index
    %get3A_66 = vector.load %arg0[%get3A_63, %get3A_64, %get3A_65] : memref<32x128x128xf32, #tpu.memory_space<vmem>>, vector<1x128x128xf32>
    %get3A_67 = vector.shape_cast %get3A_66 : vector<1x128x128xf32> to vector<128x128xf32>
    %add3A_68 = arith.addf %add3A_62, %get3A_67 : vector<128x128xf32>
    %get3A_69 = arith.constant 12 : index
    %get3A_70 = arith.constant 0 : index
    %get3A_71 = arith.constant 0 : index
    %get3A_72 = vector.load %arg0[%get3A_69, %get3A_70, %get3A_71] : memref<32x128x128xf32, #tpu.memory_space<vmem>>, vector<1x128x128xf32>
    %get3A_73 = vector.shape_cast %get3A_72 : vector<1x128x128xf32> to vector<128x128xf32>
    %add3A_74 = arith.addf %add3A_68, %get3A_73 : vector<128x128xf32>
    %get3A_75 = arith.constant 13 : index
    %get3A_76 = arith.constant 0 : index
    %get3A_77 = arith.constant 0 : index
    %get3A_78 = vector.load %arg0[%get3A_75, %get3A_76, %get3A_77] : memref<32x128x128xf32, #tpu.memory_space<vmem>>, vector<1x128x128xf32>
    %get3A_79 = vector.shape_cast %get3A_78 : vector<1x128x128xf32> to vector<128x128xf32>
    %add3A_80 = arith.addf %add3A_74, %get3A_79 : vector<128x128xf32>
    %get3A_81 = arith.constant 14 : index
    %get3A_82 = arith.constant 0 : index
    %get3A_83 = arith.constant 0 : index
    %get3A_84 = vector.load %arg0[%get3A_81, %get3A_82, %get3A_83] : memref<32x128x128xf32, #tpu.memory_space<vmem>>, vector<1x128x128xf32>
    %get3A_85 = vector.shape_cast %get3A_84 : vector<1x128x128xf32> to vector<128x128xf32>
    %add3A_86 = arith.addf %add3A_80, %get3A_85 : vector<128x128xf32>
    %get3A_87 = arith.constant 15 : index
    %get3A_88 = arith.constant 0 : index
    %get3A_89 = arith.constant 0 : index
    %get3A_90 = vector.load %arg0[%get3A_87, %get3A_88, %get3A_89] : memref<32x128x128xf32, #tpu.memory_space<vmem>>, vector<1x128x128xf32>
    %get3A_91 = vector.shape_cast %get3A_90 : vector<1x128x128xf32> to vector<128x128xf32>
    %add3A_92 = arith.addf %add3A_86, %get3A_91 : vector<128x128xf32>
    %get3A_93 = arith.constant 16 : index
    %get3A_94 = arith.constant 0 : index
    %get3A_95 = arith.constant 0 : index
    %get3A_96 = vector.load %arg0[%get3A_93, %get3A_94, %get3A_95] : memref<32x128x128xf32, #tpu.memory_space<vmem>>, vector<1x128x128xf32>
    %get3A_97 = vector.shape_cast %get3A_96 : vector<1x128x128xf32> to vector<128x128xf32>
    %add3A_98 = arith.addf %add3A_92, %get3A_97 : vector<128x128xf32>
    %get3A_99 = arith.constant 17 : index
    %get3A_100 = arith.constant 0 : index
    %get3A_101 = arith.constant 0 : index
    %get3A_102 = vector.load %arg0[%get3A_99, %get3A_100, %get3A_101] : memref<32x128x128xf32, #tpu.memory_space<vmem>>, vector<1x128x128xf32>
    %get3A_103 = vector.shape_cast %get3A_102 : vector<1x128x128xf32> to vector<128x128xf32>
    %add3A_104 = arith.addf %add3A_98, %get3A_103 : vector<128x128xf32>
    %get3A_105 = arith.constant 18 : index
    %get3A_106 = arith.constant 0 : index
    %get3A_107 = arith.constant 0 : index
    %get3A_108 = vector.load %arg0[%get3A_105, %get3A_106, %get3A_107] : memref<32x128x128xf32, #tpu.memory_space<vmem>>, vector<1x128x128xf32>
    %get3A_109 = vector.shape_cast %get3A_108 : vector<1x128x128xf32> to vector<128x128xf32>
    %add3A_110 = arith.addf %add3A_104, %get3A_109 : vector<128x128xf32>
    %get3A_111 = arith.constant 19 : index
    %get3A_112 = arith.constant 0 : index
    %get3A_113 = arith.constant 0 : index
    %get3A_114 = vector.load %arg0[%get3A_111, %get3A_112, %get3A_113] : memref<32x128x128xf32, #tpu.memory_space<vmem>>, vector<1x128x128xf32>
    %get3A_115 = vector.shape_cast %get3A_114 : vector<1x128x128xf32> to vector<128x128xf32>
    %add3A_116 = arith.addf %add3A_110, %get3A_115 : vector<128x128xf32>
    %get3A_117 = arith.constant 20 : index
    %get3A_118 = arith.constant 0 : index
    %get3A_119 = arith.constant 0 : index
    %get3A_120 = vector.load %arg0[%get3A_117, %get3A_118, %get3A_119] : memref<32x128x128xf32, #tpu.memory_space<vmem>>, vector<1x128x128xf32>
    %get3A_121 = vector.shape_cast %get3A_120 : vector<1x128x128xf32> to vector<128x128xf32>
    %add3A_122 = arith.addf %add3A_116, %get3A_121 : vector<128x128xf32>
    %get3A_123 = arith.constant 21 : index
    %get3A_124 = arith.constant 0 : index
    %get3A_125 = arith.constant 0 : index
    %get3A_126 = vector.load %arg0[%get3A_123, %get3A_124, %get3A_125] : memref<32x128x128xf32, #tpu.memory_space<vmem>>, vector<1x128x128xf32>
    %get3A_127 = vector.shape_cast %get3A_126 : vector<1x128x128xf32> to vector<128x128xf32>
    %add3A_128 = arith.addf %add3A_122, %get3A_127 : vector<128x128xf32>
    %get3A_129 = arith.constant 22 : index
    %get3A_130 = arith.constant 0 : index
    %get3A_131 = arith.constant 0 : index
    %get3A_132 = vector.load %arg0[%get3A_129, %get3A_130, %get3A_131] : memref<32x128x128xf32, #tpu.memory_space<vmem>>, vector<1x128x128xf32>
    %get3A_133 = vector.shape_cast %get3A_132 : vector<1x128x128xf32> to vector<128x128xf32>
    %add3A_134 = arith.addf %add3A_128, %get3A_133 : vector<128x128xf32>
    %get3A_135 = arith.constant 23 : index
    %get3A_136 = arith.constant 0 : index
    %get3A_137 = arith.constant 0 : index
    %get3A_138 = vector.load %arg0[%get3A_135, %get3A_136, %get3A_137] : memref<32x128x128xf32, #tpu.memory_space<vmem>>, vector<1x128x128xf32>
    %get3A_139 = vector.shape_cast %get3A_138 : vector<1x128x128xf32> to vector<128x128xf32>
    %add3A_140 = arith.addf %add3A_134, %get3A_139 : vector<128x128xf32>
    %get3A_141 = arith.constant 24 : index
    %get3A_142 = arith.constant 0 : index
    %get3A_143 = arith.constant 0 : index
    %get3A_144 = vector.load %arg0[%get3A_141, %get3A_142, %get3A_143] : memref<32x128x128xf32, #tpu.memory_space<vmem>>, vector<1x128x128xf32>
    %get3A_145 = vector.shape_cast %get3A_144 : vector<1x128x128xf32> to vector<128x128xf32>
    %add3A_146 = arith.addf %add3A_140, %get3A_145 : vector<128x128xf32>
    %get3A_147 = arith.constant 25 : index
    %get3A_148 = arith.constant 0 : index
    %get3A_149 = arith.constant 0 : index
    %get3A_150 = vector.load %arg0[%get3A_147, %get3A_148, %get3A_149] : memref<32x128x128xf32, #tpu.memory_space<vmem>>, vector<1x128x128xf32>
    %get3A_151 = vector.shape_cast %get3A_150 : vector<1x128x128xf32> to vector<128x128xf32>
    %add3A_152 = arith.addf %add3A_146, %get3A_151 : vector<128x128xf32>
    %get3A_153 = arith.constant 26 : index
    %get3A_154 = arith.constant 0 : index
    %get3A_155 = arith.constant 0 : index
    %get3A_156 = vector.load %arg0[%get3A_153, %get3A_154, %get3A_155] : memref<32x128x128xf32, #tpu.memory_space<vmem>>, vector<1x128x128xf32>
    %get3A_157 = vector.shape_cast %get3A_156 : vector<1x128x128xf32> to vector<128x128xf32>
    %add3A_158 = arith.addf %add3A_152, %get3A_157 : vector<128x128xf32>
    %get3A_159 = arith.constant 27 : index
    %get3A_160 = arith.constant 0 : index
    %get3A_161 = arith.constant 0 : index
    %get3A_162 = vector.load %arg0[%get3A_159, %get3A_160, %get3A_161] : memref<32x128x128xf32, #tpu.memory_space<vmem>>, vector<1x128x128xf32>
    %get3A_163 = vector.shape_cast %get3A_162 : vector<1x128x128xf32> to vector<128x128xf32>
    %add3A_164 = arith.addf %add3A_158, %get3A_163 : vector<128x128xf32>
    %get3A_165 = arith.constant 28 : index
    %get3A_166 = arith.constant 0 : index
    %get3A_167 = arith.constant 0 : index
    %get3A_168 = vector.load %arg0[%get3A_165, %get3A_166, %get3A_167] : memref<32x128x128xf32, #tpu.memory_space<vmem>>, vector<1x128x128xf32>
    %get3A_169 = vector.shape_cast %get3A_168 : vector<1x128x128xf32> to vector<128x128xf32>
    %add3A_170 = arith.addf %add3A_164, %get3A_169 : vector<128x128xf32>
    %get3A_171 = arith.constant 29 : index
    %get3A_172 = arith.constant 0 : index
    %get3A_173 = arith.constant 0 : index
    %get3A_174 = vector.load %arg0[%get3A_171, %get3A_172, %get3A_173] : memref<32x128x128xf32, #tpu.memory_space<vmem>>, vector<1x128x128xf32>
    %get3A_175 = vector.shape_cast %get3A_174 : vector<1x128x128xf32> to vector<128x128xf32>
    %add3A_176 = arith.addf %add3A_170, %get3A_175 : vector<128x128xf32>
    %get3A_177 = arith.constant 30 : index
    %get3A_178 = arith.constant 0 : index
    %get3A_179 = arith.constant 0 : index
    %get3A_180 = vector.load %arg0[%get3A_177, %get3A_178, %get3A_179] : memref<32x128x128xf32, #tpu.memory_space<vmem>>, vector<1x128x128xf32>
    %get3A_181 = vector.shape_cast %get3A_180 : vector<1x128x128xf32> to vector<128x128xf32>
    %add3A_182 = arith.addf %add3A_176, %get3A_181 : vector<128x128xf32>
    %get3A_183 = arith.constant 31 : index
    %get3A_184 = arith.constant 0 : index
    %get3A_185 = arith.constant 0 : index
    %get3A_186 = vector.load %arg0[%get3A_183, %get3A_184, %get3A_185] : memref<32x128x128xf32, #tpu.memory_space<vmem>>, vector<1x128x128xf32>
    %get3A_187 = vector.shape_cast %get3A_186 : vector<1x128x128xf32> to vector<128x128xf32>
    %add3A_188 = arith.addf %add3A_182, %get3A_187 : vector<128x128xf32>
    %get3A_189 = arith.constant 0 : index
    %get3A_190 = arith.constant 0 : index
    %get3A_191 = vector.load %arg1[%get3A_189, %get3A_190] : memref<8x1024xf32, #tpu.memory_space<vmem>>, vector<8x1024xf32>
    %slice3A = vector.extract_strided_slice %get3A_191 {offsets = [0, 0], sizes = [8, 1023], strides = [1, 1]} : vector<8x1024xf32> to vector<8x1023xf32>
    %slice3A_192 = vector.extract_strided_slice %get3A_191 {offsets = [0, 1], sizes = [8, 1023], strides = [1, 1]} : vector<8x1024xf32> to vector<8x1023xf32>
    %mul3A = arith.mulf %slice3A, %slice3A_192 : vector<8x1023xf32>
    %reduce_sum3A = vector.shape_cast %mul3A : vector<8x1023xf32> to vector<1x8x1023xf32>
    %reduce_sum3A_193 = arith.constant dense<0.000000e+00> : vector<1xf32>
    %reduce_sum3A_194 = vector.multi_reduction <add>, %reduce_sum3A, %reduce_sum3A_193 [1, 2] : vector<1x8x1023xf32> to vector<1xf32>
    %reduce_sum3A_195 = vector.shape_cast %reduce_sum3A_194 : vector<1xf32> to vector<1x1x1xf32>
    %reduce_sum3A_196 = vector.extract %reduce_sum3A_195[0, 0, 0] : f32 from vector<1x1x1xf32>
    %max3A = arith.constant 1.000000e+00 : f32
    %max3A_197 = arith.maximumf %reduce_sum3A_196, %max3A : f32
    %div3A = vector.broadcast %max3A_197 : f32 to vector<128x128xf32>
    %div3A_198 = arith.divf %add3A_188, %div3A : vector<128x128xf32>
    %max3A_199 = arith.constant 9.99999996E-13 : f32
    %max3A_200 = vector.broadcast %max3A_199 : f32 to vector<128x128xf32>
    %max3A_201 = arith.maximumf %div3A_198, %max3A_200 : vector<128x128xf32>
    %reduce_sum3A_202 = vector.shape_cast %max3A_201 : vector<128x128xf32> to vector<1x128x128xf32>
    %reduce_sum3A_203 = arith.constant dense<0.000000e+00> : vector<1xf32>
    %reduce_sum3A_204 = vector.multi_reduction <add>, %reduce_sum3A_202, %reduce_sum3A_203 [1, 2] : vector<1x128x128xf32> to vector<1xf32>
    %reduce_sum3A_205 = vector.shape_cast %reduce_sum3A_204 : vector<1xf32> to vector<1x1x1xf32>
    %reduce_sum3A_206 = vector.extract %reduce_sum3A_205[0, 0, 0] : f32 from vector<1x1x1xf32>
    %sub3A = arith.constant 1.000000e+00 : f32
    %sub3A_207 = arith.subf %sub3A, %reduce_sum3A_206 : f32
    %jit3A = arith.constant 9.99999996E-13 : f32
    %jit3A_208 = arith.constant 1.000000e+00 : f32
    %max3A_209 = arith.maximumf %jit3A, %sub3A_207 : f32
    %min3A = arith.minimumf %jit3A_208, %max3A_209 : f32
    %get3A_210 = arith.constant 0 : index
    %get3A_211 = arith.constant 0 : index
    %get3A_212 = vector.load %arg2[%get3A_210, %get3A_211] : memref<128x128xf32, #tpu.memory_space<vmem>>, vector<128x128xf32>
    %max3A_213 = arith.constant 9.99999993E-9 : f32
    %max3A_214 = vector.broadcast %max3A_213 : f32 to vector<128x128xf32>
    %max3A_215 = arith.maximumf %get3A_212, %max3A_214 : vector<128x128xf32>
    %log3A = math.log %max3A_201 : vector<128x128xf32>
    %log3A_216 = math.log %max3A_215 : vector<128x128xf32>
    %sub3A_217 = arith.subf %log3A, %log3A_216 : vector<128x128xf32>
    %mul3A_218 = arith.mulf %max3A_201, %sub3A_217 : vector<128x128xf32>
    %reduce_sum3A_219 = vector.shape_cast %mul3A_218 : vector<128x128xf32> to vector<1x128x128xf32>
    %reduce_sum3A_220 = arith.constant dense<0.000000e+00> : vector<1xf32>
    %reduce_sum3A_221 = vector.multi_reduction <add>, %reduce_sum3A_219, %reduce_sum3A_220 [1, 2] : vector<1x128x128xf32> to vector<1xf32>
    %reduce_sum3A_222 = vector.shape_cast %reduce_sum3A_221 : vector<1xf32> to vector<1x1x1xf32>
    %reduce_sum3A_223 = vector.extract %reduce_sum3A_222[0, 0, 0] : f32 from vector<1x1x1xf32>
    %get3A_224 = arith.constant 0 : index
    %get3A_225 = memref.load %arg3[%get3A_224] : memref<1xf32, #tpu.memory_space<smem>>
    %max3A_226 = arith.constant 9.99999993E-9 : f32
    %max3A_227 = arith.maximumf %get3A_225, %max3A_226 : f32
    %log3A_228 = math.log %min3A : f32
    %log3A_229 = math.log %max3A_227 : f32
    %sub3A_230 = arith.subf %log3A_228, %log3A_229 : f32
    %mul3A_231 = arith.mulf %min3A, %sub3A_230 : f32
    %add3A_232 = arith.addf %reduce_sum3A_223, %mul3A_231 : f32
    %swap3A = arith.constant 0 : index
    %swap3A_233 = memref.load %arg4[%swap3A] : memref<1xf32, #tpu.memory_space<smem>>
    memref.store %add3A_232, %arg4[%swap3A] : memref<1xf32, #tpu.memory_space<smem>>
    return
  }
}

</mosaic_0001>

<sc_bundles>
// kernel: kernel.4.cloned.1.call-start
scs
__scs_entry_jumppad:
0x0: {  	(pc) =	sbr.rel $0x88, $3  }
0x1: {  	(tag) =	ssettag $0x0;
	lr =	simm.s32 $0x1  }
0x2: {  	[smem:$0x3F9C] =	sst lr;
	_ =	strace $0xD0000000  }
0x3: {  	_ = 	snop  }
0x4: {  	_ = 	snop  }
0x5: {  	_ = 	snop  }
0x6: {  	_ = 	snop  }
0x7: {  	_ = 	snop  }
__scs_overlays_trampoline_lowered:
0x8: {  	[smem:$0x3FAB] =	sst s0  }
0x9: {  	[smem:$0x3FAC] =	sst s1  }
0xa: {  	[smem:$0x3FAD] =	sst s2  }
0xb: {  	[smem:$0x3FAE] =	sst s3  }
0xc: {  	[smem:$0x3FAF] =	sst s4  }
0xd: {  	[smem:$0x3FB0] =	sst s5  }
0xe: {  	[smem:$0x3FB1] =	sst s6  }
0xf: {  	[smem:$0x3FB2] =	sst s7  }
0x10: {  	[smem:$0x3FB3] =	sst s8  }
0x11: {  	[smem:$0x3FB4] =	sst s9;
	s0 =	simm.s32 @!p0 $0x0  }
0x12: {  	s1 =	sld [smem:$0x3F9A];
	s0 =	simm.s32 @p0 $0x1  }
0x13: {  	[smem:$0x3FB5] =	sst s0;
	s0 =	simm.s32 @!p1 $0x0  }
0x14: {  	s2 =	sld [smem:$0x3F99];
	s0 =	simm.s32 @p1 $0x1  }
0x15: {  	[smem:$0x3FB6] =	sst s0;
	s0 =	simm.s32 @!p2 $0x0  }
0x16: {  	s3 =	sld [smem:$0x3FDB];
	s0 =	simm.s32 @p2 $0x1  }
0x17: {  	s4 =	simm.s32 $0x1BF5;
	[smem:$0x3FB8] =	sst s0  }
0x18: {  	s0 =	sld [smem:$0x3F9B];
	_ =	swait.ge [sflag:s4], $0x0  }
0x19: {  	s7 =	sld [smem:$0x3F9C]  }
0x1a: {  	s8 =	sadd.s32 $0xFFFFE003, lr  }
0x1b: {  	s9 =	sadd.s32 $0xFFFFFEF7, lr;
	s5 =	simm.s32 $0xFFFFFFFF;
	p2 =	slt.u32 s8, $0xFFFFF086  }
0x1c: {  	p1 =	slt.u32 s9, $0xF7A;
	s5 =	simm.s32 @!p2 $0x0  }
0x1d: {  	s5 =	simm.s32 @p1 $0x1;
	p0 =	seq.s32 s7, s2  }
0x1e: {  	s7 =	smul.u32 @!p0 $0xF7A, s2;
	p2 =	seq.s32 @!p0 s5, $0x0  }
0x1f: {  	s9 =	smul.u32 $0xF7A, s1;
	s8 =	simm.s32 @!p0 $0x1BF5;
	p2 =	por !p2, p0  }
0x20: {  	[sflag:s8] =	ssyncset.s32 @!p0 $0xFFFFF086;
	s6 =	sadd.s32 @!p0 s3, s7;
	s7 =	simm.s32 @!p0 $0x108  }
0x21: {  	s3 =	sadd.s32 s3, s9;
	s6 =	sadd.s32 @!p0 $0x88, s6;
	s7 =	simm.s32 @p2 $0x1082  }
0x22: {  	[simem:s7], [sflag:s8] =	dma.local @!p0 [hbm:s6], $0xF7A  }
0x23: {  	s9 =	sor.u32 $0xD0000000, s2;
	s6 =	simm.s32 $0x108;
	_ =	swait.ge @!p0 [sflag:s8], $0x0  }
0x24: {  	s3 =	sadd.s32 $0x88, s3;
	s6 =	simm.s32 @!p1 $0x1082;
	[sflag:s4] =	ssyncset.s32 $0xFFFFF086  }
0x25: {  	[simem:s6], [sflag:s4] =	dma.local [hbm:s3], $0xF7A  }
0x26: {  	[smem:$0x3F9C] =	sst s1;
	(tag) =	ssettag s2;
	_ =	strace s9  }
0x27: {  	s1 =	sld [smem:$0x3FAC]  }
0x28: {  	s2 =	sld [smem:$0x3FAD]  }
0x29: {  	s4 =	sld [smem:$0x3FAF]  }
0x2a: {  	p0 =	seq.s32 s5, $0x0;
	s5 =	sld [smem:$0x3FB0]  }
0x2b: {  	s6 =	sld [smem:$0x3FB1]  }
0x2c: {  	s7 =	sld [smem:$0x3FB2]  }
0x2d: {  	s3 =	simm.s32 $0x108;
	s8 =	sld [smem:$0x3FB3]  }
0x2e: {  	s3 =	simm.s32 @!p0 $0x1082;
	s9 =	sld [smem:$0x3FB4]  }
0x2f: {  	lr =	sadd.s32 s0, s3;
	s0 =	sld [smem:$0x3FAB]  }
0x30: {  	s3 =	sld [smem:$0x3FAE]  }
0x31: {  	[smem:$0x3FB7] =	sst s10  }
0x32: {  	s10 =	sld [smem:$0x3FB5];
	_ =	sdelay $0x3  }
0x33: {  	p0 =	seq.s32 s10, $0x1;
	s10 =	sld [smem:$0x3FB7];
	_ =	sdelay $0x3  }
0x34: {  	[smem:$0x3FB7] =	sst s10  }
0x35: {  	s10 =	sld [smem:$0x3FB6];
	_ =	sdelay $0x3  }
0x36: {  	p1 =	seq.s32 s10, $0x1;
	s10 =	sld [smem:$0x3FB7];
	_ =	sdelay $0x3  }
0x37: {  	[smem:$0x3FB7] =	sst s10  }
0x38: {  	s10 =	sld [smem:$0x3FB8]  }
0x39: {  	_ = 	snop;
	(pc) =	sbr.ind lr, $3  }
0x3a: {  	_ = 	snop  }
0x3b: {  	_ = 	snop  }
0x3c: {  	p2 =	seq.s32 s10, $0x1;
	s10 =	sld [smem:$0x3FB7]  }
0x3d: {  	_ =	shalt  }
0x3e: {  	_ =	shalt  }
0x3f: {  	_ =	shalt  }
0x40: {  	_ =	shalt  }
0x41: {  	_ =	shalt  }
0x42: {  	_ =	shalt  }
0x43: {  	_ =	shalt  }
0x44: {  	_ =	shalt  }
0x45: {  	_ =	shalt  }
0x46: {  	_ =	shalt  }
0x47: {  	_ =	shalt  }
0x48: {  	_ =	shalt  }
0x49: {  	_ =	shalt  }
0x4a: {  	_ =	shalt  }
0x4b: {  	_ =	shalt  }
0x4c: {  	_ =	shalt  }
0x4d: {  	_ =	shalt  }
0x4e: {  	_ =	shalt  }
0x4f: {  	_ =	shalt  }
0x50: {  	_ =	shalt  }
0x51: {  	_ =	shalt  }
0x52: {  	_ =	shalt  }
0x53: {  	_ =	shalt  }
0x54: {  	_ =	shalt  }
0x55: {  	_ =	shalt  }
0x56: {  	_ =	shalt  }
0x57: {  	_ =	shalt  }
0x58: {  	_ =	shalt  }
0x59: {  	_ =	shalt  }
0x5a: {  	_ =	shalt  }
0x5b: {  	_ =	shalt  }
0x5c: {  	_ =	shalt  }
0x5d: {  	_ =	shalt  }
0x5e: {  	_ =	shalt  }
0x5f: {  	_ =	shalt  }
0x60: {  	_ =	shalt  }
0x61: {  	_ =	shalt  }
0x62: {  	_ =	shalt  }
0x63: {  	_ =	shalt  }
0x64: {  	_ =	shalt  }
0x65: {  	_ =	shalt  }
0x66: {  	_ =	shalt  }
0x67: {  	_ =	shalt  }
0x68: {  	_ =	shalt  }
0x69: {  	_ =	shalt  }
0x6a: {  	_ =	shalt  }
0x6b: {  	_ =	shalt  }
0x6c: {  	_ =	shalt  }
0x6d: {  	_ =	shalt  }
0x6e: {  	_ =	shalt  }
0x6f: {  	_ =	shalt  }
0x70: {  	_ =	shalt  }
0x71: {  	_ =	shalt  }
0x72: {  	_ =	shalt  }
0x73: {  	_ =	shalt  }
0x74: {  	_ =	shalt  }
0x75: {  	_ =	shalt  }
0x76: {  	_ =	shalt  }
0x77: {  	_ =	shalt  }
0x78: {  	_ =	shalt  }
0x79: {  	_ =	shalt  }
0x7a: {  	_ =	shalt  }
0x7b: {  	_ =	shalt  }
0x7c: {  	_ =	shalt  }
0x7d: {  	_ =	shalt  }
0x7e: {  	_ =	shalt  }
0x7f: {  	_ =	shalt  }
0x80: {  	_ =	shalt  }
0x81: {  	_ =	shalt  }
0x82: {  	_ =	shalt  }
0x83: {  	_ =	shalt  }
0x84: {  	_ =	shalt  }
0x85: {  	_ =	shalt  }
0x86: {  	_ =	shalt  }
0x87: {  	_ =	shalt  }
.Lfunc_end0:
.L_simem_size_0:
called_computation_lowered:
.L_overlay_start_0:
0x88: {  	s2 =	sld [smem:$0x3FD9]  }
0x89: {  	s3 =	sld [smem:$0x3FFE];
	_ =	sdelay $0x1  }
0x8a: {  	s1 =	srdreg.scid  }
0x8b: {  	s0 =	sand.u32 $0x1, s1  }
0x8c: {  	s17 =	sshll.u32 s0, $0xA;
	s2 =	sadd.s32 s3, s2  }
0x8d: {  	s2 =	sadd.s32 s2, s17  }
0x8e: {  	[smem:$0x3FC3] =	sst s2  }
0x8f: {  	_ = 	snop  }
0x90: {  	s2 =	sld [smem:$0x3FC9];
	(tm) =	ssettm $0x1  }
0x91: {  	s18 =	sld [smem:$0x3FFB];
	_ =	sdelay $0x3  }
0x92: {  	_ =	strace s18  }
0x93: {  	s3 =	sld [smem:$0x3FFC];
	_ =	sdelay $0x3  }
0x94: {  	_ =	strace s3  }
0x95: {  	s3 =	sld [smem:$0x3FFD];
	_ =	sdelay $0x3  }
0x96: {  	_ =	strace s3  }
0x97: {  	_ =	strace $0x8FFFFFFF  }
0x98: {  	s19 =	sld [smem:$0x3FDB];
	_ =	sdelay $0x1  }
0x99: {  	s4 =	simm.s32 $_scs_section_size  }
0x9a: {  	s5 =	simm.s32 $_size__tile_overlayer_lowered;
	s6 =	simm.s32 $_tile_overlayer_lowered  }
0x9b: {  	s22 =	simm.s32 $0x1BFF;
	s21 =	sshll.u32 s6, $0x1;
	s3 =	sadd.s32 s4, s19  }
0x9c: {  	s7 =	simm.s32 $0x0;
	s20 =	sshll.u32 s5, $0x1;
	s5 =	sadd.s32 s21, s3  }
0x9d: {  	[timem:s7], [sflag:s22] =	dma.local [hbm:s5], s20  }
0x9e: {  	_ =	swait.ge [sflag:s22], s20  }
0x9f: {  	s4 =	ssub.s32 $0x0, s20;
	[sflag:s22] =	ssyncset.done $0x0  }
0xa0: {  	[sflag:s22] =	ssyncadd.s32 s4;
	_ =	sdelay $0x1  }
0xa1: {  	s23 =	simm.s32 $0x1B8B  }
0xa2: {  	_ =	swait.ge [sflag:s23], $0x1  }
0xa3: {  	[sflag:s23] =	ssyncset.done $0x0  }
0xa4: {  	s25 =	simm.s32 $0x1B8E;
	s24 =	sld [smem:$0x3FFE];
	[sflag:s23] =	ssyncadd.s32 $0xFFFFFFFF  }
0xa5: {  	s26 =	simm.s32 $execute0_lowered;
	[smem:$0x3FD2] =	sst s25  }
0xa6: {  	s5 =	sshll.u32 s26, $0x1;
	_ =	strace $0x80000046;
	[dreg:$0x1] =	wrdreg $0xFFFFFFFF  }
0xa7: {  	s28 =	simm.s32 $_size_execute0_lowered;
	s3 =	sadd.s32 s3, s5;
	[dreg:$0x0] =	wrdreg $0x0  }
0xa8: {  	s5 =	sshll.u32 s28, $0x1;
	[dreg:$0x2] =	wrdreg s3  }
0xa9: {  	[dreg:$0x3] =	wrdreg s5  }
0xaa: {  	[dreg:$0x4] =	wrdreg $0xC0  }
0xab: {  	_ =	task [dreg:s7], $0x5FFFF  }
0xac: {  	[dreg:$0x1] =	wrdreg $0xFFFFFFFF  }
0xad: {  	[dreg:$0x0] =	wrdreg $0x60  }
0xae: {  	[dreg:$0x2] =	wrdreg s2  }
0xaf: {  	[dreg:$0x3] =	wrdreg s24  }
0xb0: {  	[dreg:$0x4] =	wrdreg $0x9  }
0xb1: {  	_ =	task.clear_ibuf [dreg:s7], $0x5FFFF;
	_ =	strace $0x90000046  }
0xb2: {  	s29 =	simm.s32 $0x9;
	_ =	strace $0x80000048  }
0xb3: {  	_ =	swait.ge [sflag:s29], $0x1  }
0xb4: {  	[sflag:s29] =	ssyncadd.s32 $0xFFFFFFFF  }
0xb5: {  	_ =	strace $0x90000048  }
0xb6: {  	_ =	sfence  }
0xb7: {  	s30 =	sld [smem:$0x0];
	_ =	sdelay $0x2  }
0xb8: {  	s31 =	sshll.u32 s1, $0xD;
	s1 =	sshrl.u32 s1, $0x2  }
0xb9: {  	s3 =	sand.u32 $0x4000, s31;
	s1 =	sadd.s32 s1, s30  }
0xba: {  	s0 =	sor.u32 s3, s0;
	s1 =	sshll.u32 s1, $0x11  }
0xbb: {  	s0 =	sor.u32 s1, s0  }
0xbc: {  	s0 =	sadd.s32 $0x8F2B, s0  }
0xbd: {  	[sflag:s0] =	ssyncadd.remote.s32 $0x1  }
0xbe: {  	_ =	sfence.sel $0xFFFF  }
0xbf: {  	[dreg:$0x0] =	wrdreg $0xFFFFFFFF;
	(pc) =	sbr.abs _section_cstart, $3  }
0xc0: {  	[dreg:$0x1] =	wrdreg $0xFFFFFFFF  }
0xc1: {  	_ =	task.clear_ibuf [dreg:s7], $0x2FFFF;
	_ =	strace $0x9FFFFFFF  }
0xc2: {  	(tm) =	ssettm $0x7FFFFFFF  }
0xc3: {  	_ =	shalt  }
tec
execute0_lowered:
.L_overlay_start_1:
0x0: {  	(tag) =	ssettag $0x1  }
0x1: {  	s1 =	rddreg [dreg:$0x0]  }
0x2: {  	s0 =	rddreg [dreg:$0x1]  }
0x3: {  	s3 =	simm.s32 $0x0;
	s4 =	srdreg.scid;
	s2 =	stileid.u32  }
0x4: {  	s13 =	simm.s32 $0x80;
	s14 =	simm.s32 $0x400;
	s15 =	simm.s32 $0x7D00  }
0x5: {  	s16 =	simm.s32 $0x1B700;
	s17 =	simm.s32 $0x1F700;
	s18 =	simm.s32 $0x4  }
0x6: {  	s19 =	simm.s32 $0x3;
	s20 =	simm.s32 $0x1;
	s21 =	simm.s32 $0xFA00  }
0x7: {  	s22 =	simm.s32 $0x2;
	s23 =	simm.s32 $0x17700;
	s24 =	simm.s32 $0x0  }
0x8: {  	[smem:$0x7FF] =	sst s3;
	s5 =	sand.u32 $0x1, s4;
	s29 =	sshll.u32 s2, $0x1  }
0x9: {  	s4 =	sadd.s32 $0x2200, s0;
	s8 =	sshll.u32 s2, $0xC;
	_ =	strace $0x80000047  }
0xa: {  	s6 =	sor.u32 s5, s29;
	s8 =	sand.u32 $0xC000, s8;
	s5 =	ssub.s32 $0x2, s5  }
0xb: {  	s7 =	sshll.u32 s6, $0x7;
	s9 =	smul.u32 $0x3E800, s6;
	s30 =	sshrl.u32 s5, $0x1  }
.Ltmp0:
0xc: {  	s31 =	sshll.u32 s6, $0x4;
	s6 =	sshll.u32 s6, $0x6;
	(pc) =	sbr.rel .LBB2_1-.Ltmp0, $4  }
0xd: {  	s10 =	sadd.s32 s7, s0;
	s0 =	sadd.s32 s8, s0;
	s12 =	ssub.s32 s5, s30  }
0xe: {  	s11 =	sand.u32 $0x70, s31;
	s5 =	sadd.s32 s1, s9;
	s8 =	sadd.s32 $0x1002, s10  }
0xf: {  	s9 =	sor.u32 $0x3, s6;
	s0 =	sadd.s32 s11, s0;
	s10 =	sor.u32 $0x4, s6  }
0x10: {  	v0 =	vimm.f32 $0.0e+00;
	s12 =	smax.u32 s12, $0x1;
	s7 =	sadd.s32 $0x10, s5;
	s11 =	sadd.s32 $0x2A00, s0  }
.LBB2_17:
0x11: {  	_ =	swait.ge [sflag:s22], $0x7D00;
	s24 =	sadd.s32 $0x1, s24  }
0x12: {  	[sflag:s22] =	ssyncset.done $0x0;
	p0 =	sne.s32 s24, s12  }
.Ltmp1:
0x13: {  	[sflag:s22] =	ssyncadd.s32 $0xFFFF8300;
	(pc) =	sbr.rel @!p0 .LBB2_18-.Ltmp1, $4  }
0x14: {  	[hbm4b:s11+s13] =	stream.strided.scatter [tilespmem:s23], [sflag:$0x4], $0x4000, s14, s13, $0x38;
	[tilespmem:$0x1FB80] =	vst v63  }
0x15: {  	_ =	swait.ge [sflag:s18], $0x4000  }
0x16: {  	[sflag:s18] =	ssyncset.done $0x0  }
0x17: {  	[sflag:s18] =	ssyncadd.s32 $0xFFFFC000  }
.LBB2_1:
0x18: {  	[tilespmem:s3], [sflag:$0x1] =	stream.strided.gather [hbm4b:s5+s13], $0x7D00, s14, s13, $0x38;
	[tilespmem:$0x1FB80] =	vst v63  }
0x19: {  	_ = 	snop  }
0x1a: {  	[tilespmem:s15], [sflag:$0x2] =	stream.strided.gather [hbm4b:s7+s13], $0x7D00, s14, s13, $0x38;
	[tilespmem:$0x1FB80] =	vst v63  }
0x1b: {  	_ = 	snop  }
0x1c: {  	[tilespmem:s16], [sflag:$0x3] =	stream.linear.gather [hbm4b:s4+s3], $0x4000, $0x38;
	[tilespmem:$0x1FB80] =	vst v63  }
0x1d: {  	_ = 	snop  }
0x1e: {  	[tilespmem:s17], [sflag:$0x4] =	stream.linear.gather [hbm4b:s8+s3], $0x420, $0x38;
	[tilespmem:$0x1FB80] =	vst v63  }
0x1f: {  	_ =	swait.ge [sflag:s18], $0x420  }
0x20: {  	[sflag:s18] =	ssyncset.done $0x0  }
0x21: {  	s0 =	simm.s32 $0x17740;
	[sflag:s18] =	ssyncadd.s32 $0xFFFFFBE0  }
0x22: {  	[tilespmem:s0+$0xFFFFFFC0] =	vst v0  }
0x23: {  	[tilespmem:s0+$0x30] =	vst v0  }
0x24: {  	[tilespmem:s0+$0x20] =	vst v0  }
0x25: {  	[tilespmem:s0+$0x10] =	vst v0  }
0x26: {  	[tilespmem:s0+$0x0] =	vst v0  }
0x27: {  	[tilespmem:s0+$0xFFFFFFF0] =	vst v0  }
0x28: {  	s25 =	simm.s32 $0x0;
	[tilespmem:s0+$0xFFFFFFE0] =	vst v0  }
.LBB2_2:
0x29: {  	s25 =	sadd.s32 $0x8, s25;
	[tilespmem:s0+$0xFFFFFFD0] =	vst v0;
	s0 =	sadd.s32 $0x80, s0  }
0x2a: {  	[tilespmem:s0+$0xFFFFFFC0] =	vst v0;
	p0 =	slt.u32 s25, $0x3F8  }
0x2b: {  	[tilespmem:s0+$0x30] =	vst v0  }
.Ltmp2:
0x2c: {  	[tilespmem:s0+$0x20] =	vst v0;
	(pc) =	sbr.rel @p0 .LBB2_2-.Ltmp2, $4  }
0x2d: {  	[tilespmem:s0+$0x10] =	vst v0  }
0x2e: {  	[tilespmem:s0+$0x0] =	vst v0  }
0x2f: {  	[tilespmem:s0+$0xFFFFFFF0] =	vst v0  }
0x30: {  	[tilespmem:s0+$0xFFFFFFE0] =	vst v0  }
0x31: {  	[tilespmem:s0+$0xFFFFFFD0] =	vst v0  }
0x32: {  	_ =	swait.ge [sflag:s19], $0x4000  }
.Ltmp3:
0x33: {  	[sflag:s19] =	ssyncset.done $0x0;
	(pc) =	sbr.rel .LBB2_4-.Ltmp3, $4  }
0x34: {  	[sflag:s19] =	ssyncadd.s32 $0xFFFFC000  }
0x35: {  	_ =	swait.ge [sflag:s20], $0x7D00  }
0x36: {  	[sflag:s20] =	ssyncset.done $0x0  }
0x37: {  	s25 =	simm.s32 $0x0;
	[sflag:s20] =	ssyncadd.s32 $0xFFFF8300  }
.LBB2_16:
0x38: {  	s25 =	sadd.s32 $0x1, s25  }
0x39: {  	p0 =	sne.s32 s25, $0x16  }
.Ltmp4:
0x3a: {  	_ = 	snop;
	(pc) =	sbr.rel @!p0 .LBB2_17-.Ltmp4, $1  }
0x3b: {  	_ =	sdelay $0x3  }
.LBB2_4:
0x3c: {  	s28 =	smul.u32 $0x3, s25;
	_ =	sdelay $0x1  }
0x3d: {  	s26 =	sadd.s32 $0x2, s28  }
0x3e: {  	s0 =	sadd.s32 s6, s26  }
0x3f: {  	p0 =	slt.s32 s0, $0x7FF  }
0x40: {  	s0 =	simm.s32 @!p0 $0x7FF  }
0x41: {  	s29 =	sshrl.u32 s0, $0x3  }
0x42: {  	s0 =	sshll.u32 s0, $0x7;
	s29 =	smul.u32 $0x3E800, s29  }
0x43: {  	s0 =	sand.u32 $0x380, s0  }
0x44: {  	s0 =	sor.u32 s0, s29  }
0x45: {  	s0 =	sshrl.u32 s0, $0x3  }
0x46: {  	s0 =	sadd.s32 s1, s0  }
0x47: {  	[tilespmem:s21], [sflag:$0x3] =	stream.strided.gather [hbm4b:s0+s13], $0x7D00, s14, s13, $0x38;
	[tilespmem:$0x1FB80] =	vst v63  }
0x48: {  	s30 =	smul.u32 $0xC0, s25;
	_ =	swait.ge [sflag:s22], $0x7D00  }
0x49: {  	[sflag:s22] =	ssyncset.done $0x0  }
0x4a: {  	s29 =	sshra.s32 s30, $0x2;
	[sflag:s22] =	ssyncadd.s32 $0xFFFF8300  }
0x4b: {  	v1 =	vld [tilespmem:s29+$0x1F700];
	_ =	sdelay $0x4  }
0x4c: {  	(xrf2) =	vadd.scan.msk.f32 $0xffff, v1;
	_ =	sdelay $0x9  }
0x4d: {  	v1, _, _ =	vpop (xrf2)  }
0x4e: {  	(v2sf) =	vpush v1, $0xF;
	_ =	sdelay $0xe  }
0x4f: {  	s31 =	spop (v2sf)  }
0x50: {  	p0 =	sgt.f32 s31, $0.0e+00  }
.Ltmp5:
0x51: {  	_ = 	snop;
	(pc) =	sbr.rel @!p0 .LBB2_8-.Ltmp5, $1  }
0x52: {  	_ =	sdelay $0x3  }
0x53: {  	s30 =	simm.s32 $0x0  }
0x54: {  	v1 =	vld [tilespmem:s30+$0x1B770];
	_ =	sdelay $0x1  }
0x55: {  	v2 =	vld [tilespmem:s30+$0x1B700];
	_ =	sdelay $0x1  }
0x56: {  	v3 =	vld [tilespmem:s30+$0x1B710]  }
0x57: {  	v4 =	vld [tilespmem:s30+$0x1B720];
	v5 =	vand.u32 $0xFFFF, v1  }
0x58: {  	v6 =	vld [tilespmem:s30+$0x1B730];
	v1 =	vshrl.u32 v1, $0x10  }
0x59: {  	v7 =	vld [tilespmem:s30+$0x1B740];
	v8 =	vand.u32 $0xFFFF, v2  }
0x5a: {  	v9 =	vld [tilespmem:s30+$0x1B750];
	v2 =	vshrl.u32 v2, $0x10  }
0x5b: {  	v11 =	vld [tilespmem:s30+$0x1B760];
	v10 =	vand.u32 $0xFFFF, v3  }
0x5c: {  	v3 =	vshrl.u32 v3, $0x10;
	v5 =	vld.idx.msk [tilespmem:v5+s3+$0x0], $0xffff  }
0x5d: {  	v12 =	vand.u32 $0xFFFF, v4;
	v1 =	vld.idx.msk [tilespmem:v1+s15+$0x0], $0xffff  }
0x5e: {  	v4 =	vshrl.u32 v4, $0x10;
	v8 =	vld.idx.msk [tilespmem:v8+s3+$0x0], $0xffff  }
0x5f: {  	v13 =	vand.u32 $0xFFFF, v6;
	v2 =	vld.idx.msk [tilespmem:v2+s15+$0x0], $0xffff  }
0x60: {  	v6 =	vshrl.u32 v6, $0x10;
	v10 =	vld.idx.msk [tilespmem:v10+s3+$0x0], $0xffff  }
0x61: {  	v14 =	vand.u32 $0xFFFF, v7;
	v3 =	vld.idx.msk [tilespmem:v3+s15+$0x0], $0xffff  }
0x62: {  	v12 =	vld.idx.msk [tilespmem:v12+s3+$0x0], $0xffff  }
0x63: {  	v7 =	vshrl.u32 v7, $0x10;
	v4 =	vld.idx.msk [tilespmem:v4+s15+$0x0], $0xffff  }
0x64: {  	v13 =	vld.idx.msk [tilespmem:v13+s3+$0x0], $0xffff  }
0x65: {  	v6 =	vld.idx.msk [tilespmem:v6+s15+$0x0], $0xffff;
	v1 =	vmul.f32 v1, v5;
	v5 =	vand.u32 $0xFFFF, v9  }
0x66: {  	v14 =	vld.idx.msk [tilespmem:v14+s3+$0x0], $0xffff;
	v9 =	vshrl.u32 v9, $0x10  }
0x67: {  	v8 =	vmul.f32 v2, v8;
	[tilespmem:s30+$0x17770] =	vst.add.f32.msk $0xffff, v1;
	v1 =	vand.u32 $0xFFFF, v11  }
0x68: {  	v7 =	vld.idx.msk [tilespmem:v7+s15+$0x0], $0xffff;
	v11 =	vshrl.u32 v11, $0x10  }
0x69: {  	[tilespmem:s30+$0x17700] =	vst.add.f32.msk $0xffff, v8  }
0x6a: {  	v5 =	vld.idx.msk [tilespmem:v5+s3+$0x0], $0xffff  }
0x6b: {  	v9 =	vld.idx.msk [tilespmem:v9+s15+$0x0], $0xffff  }
0x6c: {  	v4 =	vmul.f32 v4, v12;
	v2 =	vld.idx.msk [tilespmem:v1+s3+$0x0], $0xffff  }
0x6d: {  	v6 =	vmul.f32 v6, v13;
	v1 =	vmul.f32 v3, v10;
	v3 =	vld.idx.msk [tilespmem:v11+s15+$0x0], $0xffff  }
0x6e: {  	[tilespmem:s30+$0x17720] =	vst.add.f32.msk $0xffff, v4  }
0x6f: {  	v4 =	vmul.f32 v7, v14;
	[tilespmem:s30+$0x17730] =	vst.add.f32.msk $0xffff, v6  }
0x70: {  	s31 =	simm.s32 $0x0;
	s0 =	simm.s32 $0x200;
	[tilespmem:s30+$0x17710] =	vst.add.f32.msk $0xffff, v1;
	v1 =	vmul.f32 v9, v5  }
.LBB2_6:
0x71: {  	s2 =	sshra.s32 s0, $0x2;
	[tilespmem:s30+$0x17740] =	vst.add.f32.msk $0xffff, v4  }
0x72: {  	s31 =	sadd.s32 $0x8, s31;
	v2 =	vmul.f32 v3, v2;
	v4 =	vld [tilespmem:s2+$0x1B770]  }
0x73: {  	p0 =	slt.u32 s31, $0x3F8;
	v3 =	vld [tilespmem:s2+$0x1B700]  }
0x74: {  	v5 =	vld [tilespmem:s2+$0x1B710]  }
0x75: {  	v6 =	vld [tilespmem:s2+$0x1B720]  }
0x76: {  	v7 =	vld [tilespmem:s2+$0x1B730]  }
0x77: {  	v8 =	vld [tilespmem:s2+$0x1B740];
	v9 =	vand.u32 $0xFFFF, v4  }
0x78: {  	v4 =	vshrl.u32 v4, $0x10;
	v10 =	vshrl.u32 v3, $0x10;
	v3 =	vand.u32 $0xFFFF, v3;
	v11 =	vld [tilespmem:s2+$0x1B750]  }
0x79: {  	v12 =	vshrl.u32 v5, $0x10;
	v5 =	vand.u32 $0xFFFF, v5;
	v13 =	vld [tilespmem:s2+$0x1B760]  }
0x7a: {  	v14 =	vshrl.u32 v6, $0x10;
	v6 =	vand.u32 $0xFFFF, v6;
	[tilespmem:s30+$0x17750] =	vst.add.f32.msk $0xffff, v1  }
0x7b: {  	v1 =	vshrl.u32 v7, $0x10;
	v7 =	vand.u32 $0xFFFF, v7;
	[tilespmem:s30+$0x17760] =	vst.add.f32.msk $0xffff, v2;
	s30 =	smov.u32 s2  }
0x7c: {  	v2 =	vshrl.u32 v8, $0x10;
	v8 =	vand.u32 $0xFFFF, v8;
	v9 =	vld.idx.msk [tilespmem:v9+s3+$0x0], $0xffff  }
0x7d: {  	v15 =	vshrl.u32 v11, $0x10;
	v11 =	vand.u32 $0xFFFF, v11;
	v4 =	vld.idx.msk [tilespmem:v4+s15+$0x0], $0xffff  }
0x7e: {  	v3 =	vld.idx.msk [tilespmem:v3+s3+$0x0], $0xffff;
	v16 =	vshrl.u32 v13, $0x10;
	v13 =	vand.u32 $0xFFFF, v13  }
0x7f: {  	v10 =	vld.idx.msk [tilespmem:v10+s15+$0x0], $0xffff  }
0x80: {  	v5 =	vld.idx.msk [tilespmem:v5+s3+$0x0], $0xffff  }
0x81: {  	v12 =	vld.idx.msk [tilespmem:v12+s15+$0x0], $0xffff  }
0x82: {  	v6 =	vld.idx.msk [tilespmem:v6+s3+$0x0], $0xffff  }
0x83: {  	v4 =	vmul.f32 v4, v9;
	v14 =	vld.idx.msk [tilespmem:v14+s15+$0x0], $0xffff  }
0x84: {  	v7 =	vld.idx.msk [tilespmem:v7+s3+$0x0], $0xffff  }
0x85: {  	v9 =	vmul.f32 v10, v3;
	[tilespmem:s30+$0x17770] =	vst.add.f32.msk $0xffff, v4  }
0x86: {  	v1 =	vld.idx.msk [tilespmem:v1+s15+$0x0], $0xffff  }
0x87: {  	v4 =	vmul.f32 v12, v5;
	v5 =	vld.idx.msk [tilespmem:v8+s3+$0x0], $0xffff  }
0x88: {  	v8 =	vld.idx.msk [tilespmem:v2+s15+$0x0], $0xffff  }
0x89: {  	v6 =	vmul.f32 v14, v6;
	v10 =	vld.idx.msk [tilespmem:v11+s3+$0x0], $0xffff  }
0x8a: {  	v11 =	vld.idx.msk [tilespmem:v15+s15+$0x0], $0xffff  }
0x8b: {  	v2 =	vld.idx.msk [tilespmem:v13+s3+$0x0], $0xffff  }
.Ltmp6:
0x8c: {  	v1 =	vmul.f32 v1, v7;
	v3 =	vld.idx.msk [tilespmem:v16+s15+$0x0], $0xffff;
	(pc) =	sbr.rel @p0 .LBB2_6-.Ltmp6, $4  }
0x8d: {  	[tilespmem:s30+$0x17700] =	vst.add.f32.msk $0xffff, v9  }
0x8e: {  	[tilespmem:s30+$0x17710] =	vst.add.f32.msk $0xffff, v4;
	v4 =	vmul.f32 v8, v5  }
0x8f: {  	[tilespmem:s30+$0x17720] =	vst.add.f32.msk $0xffff, v6  }
0x90: {  	s0 =	sadd.s32 $0x200, s0;
	[tilespmem:s30+$0x17730] =	vst.add.f32.msk $0xffff, v1;
	v1 =	vmul.f32 v11, v10  }
0x91: {  	[tilespmem:s30+$0x17740] =	vst.add.f32.msk $0xffff, v4;
	v2 =	vmul.f32 v3, v2  }
0x92: {  	[tilespmem:s30+$0x17750] =	vst.add.f32.msk $0xffff, v1  }
0x93: {  	[tilespmem:s30+$0x17760] =	vst.add.f32.msk $0xffff, v2  }
.LBB2_8:
0x94: {  	s0 =	sadd.s32 s28, s9  }
0x95: {  	p0 =	slt.s32 s0, $0x7FF  }
0x96: {  	s0 =	simm.s32 @!p0 $0x7FF  }
0x97: {  	s2 =	sshrl.u32 s0, $0x3  }
0x98: {  	s0 =	sshll.u32 s0, $0x7;
	s2 =	smul.u32 $0x3E800, s2  }
0x99: {  	s0 =	sand.u32 $0x380, s0  }
0x9a: {  	s0 =	sor.u32 s0, s2  }
0x9b: {  	s0 =	sshrl.u32 s0, $0x3  }
0x9c: {  	s30 =	simm.s32 $0x0;
	s0 =	sadd.s32 s1, s0  }
0x9d: {  	[tilespmem:s30], [sflag:$0x1] =	stream.strided.gather [hbm4b:s0+s13], $0x7D00, s14, s13, $0x38;
	[tilespmem:$0x1FB80] =	vst v63  }
0x9e: {  	_ =	swait.ge [sflag:s19], $0x7D00  }
0x9f: {  	[sflag:s19] =	ssyncset.done $0x0  }
0xa0: {  	[sflag:s19] =	ssyncadd.s32 $0xFFFF8300  }
0xa1: {  	v1 =	vld [tilespmem:s29+$0x1F710];
	_ =	sdelay $0x4  }
0xa2: {  	(xrf2) =	vadd.scan.msk.f32 $0xffff, v1;
	_ =	sdelay $0x9  }
0xa3: {  	v1, _, _ =	vpop (xrf2)  }
0xa4: {  	(v2sf) =	vpush v1, $0xF;
	_ =	sdelay $0xe  }
0xa5: {  	s31 =	spop (v2sf)  }
0xa6: {  	p0 =	sgt.f32 s31, $0.0e+00  }
.Ltmp7:
0xa7: {  	_ = 	snop;
	(pc) =	sbr.rel @!p0 .LBB2_12-.Ltmp7, $1  }
0xa8: {  	_ =	sdelay $0x3  }
0xa9: {  	s29 =	simm.s32 $0x0  }
0xaa: {  	v1 =	vld [tilespmem:s29+$0x1B770];
	_ =	sdelay $0x1  }
0xab: {  	v2 =	vld [tilespmem:s29+$0x1B700];
	_ =	sdelay $0x1  }
0xac: {  	v3 =	vld [tilespmem:s29+$0x1B710]  }
0xad: {  	v4 =	vld [tilespmem:s29+$0x1B720];
	v5 =	vand.u32 $0xFFFF, v1  }
0xae: {  	v6 =	vld [tilespmem:s29+$0x1B730];
	v1 =	vshrl.u32 v1, $0x10  }
0xaf: {  	v7 =	vld [tilespmem:s29+$0x1B740];
	v8 =	vand.u32 $0xFFFF, v2  }
0xb0: {  	v9 =	vld [tilespmem:s29+$0x1B750];
	v2 =	vshrl.u32 v2, $0x10  }
0xb1: {  	v11 =	vld [tilespmem:s29+$0x1B760];
	v10 =	vand.u32 $0xFFFF, v3  }
0xb2: {  	v3 =	vshrl.u32 v3, $0x10;
	v5 =	vld.idx.msk [tilespmem:v5+s15+$0x0], $0xffff  }
0xb3: {  	v12 =	vand.u32 $0xFFFF, v4;
	v1 =	vld.idx.msk [tilespmem:v1+s21+$0x0], $0xffff  }
0xb4: {  	v4 =	vshrl.u32 v4, $0x10;
	v8 =	vld.idx.msk [tilespmem:v8+s15+$0x0], $0xffff  }
0xb5: {  	v13 =	vand.u32 $0xFFFF, v6;
	v2 =	vld.idx.msk [tilespmem:v2+s21+$0x0], $0xffff  }
0xb6: {  	v6 =	vshrl.u32 v6, $0x10;
	v10 =	vld.idx.msk [tilespmem:v10+s15+$0x0], $0xffff  }
0xb7: {  	v14 =	vand.u32 $0xFFFF, v7;
	v3 =	vld.idx.msk [tilespmem:v3+s21+$0x0], $0xffff  }
0xb8: {  	v12 =	vld.idx.msk [tilespmem:v12+s15+$0x0], $0xffff  }
0xb9: {  	v7 =	vshrl.u32 v7, $0x10;
	v4 =	vld.idx.msk [tilespmem:v4+s21+$0x0], $0xffff  }
0xba: {  	v13 =	vld.idx.msk [tilespmem:v13+s15+$0x0], $0xffff  }
0xbb: {  	v6 =	vld.idx.msk [tilespmem:v6+s21+$0x0], $0xffff;
	v1 =	vmul.f32 v1, v5;
	v5 =	vand.u32 $0xFFFF, v9  }
0xbc: {  	v14 =	vld.idx.msk [tilespmem:v14+s15+$0x0], $0xffff;
	v9 =	vshrl.u32 v9, $0x10  }
0xbd: {  	v8 =	vmul.f32 v2, v8;
	[tilespmem:s29+$0x17770] =	vst.add.f32.msk $0xffff, v1;
	v1 =	vand.u32 $0xFFFF, v11  }
0xbe: {  	v7 =	vld.idx.msk [tilespmem:v7+s21+$0x0], $0xffff;
	v11 =	vshrl.u32 v11, $0x10  }
0xbf: {  	[tilespmem:s29+$0x17700] =	vst.add.f32.msk $0xffff, v8  }
0xc0: {  	v5 =	vld.idx.msk [tilespmem:v5+s15+$0x0], $0xffff  }
0xc1: {  	v9 =	vld.idx.msk [tilespmem:v9+s21+$0x0], $0xffff  }
0xc2: {  	v4 =	vmul.f32 v4, v12;
	v2 =	vld.idx.msk [tilespmem:v1+s15+$0x0], $0xffff  }
0xc3: {  	v6 =	vmul.f32 v6, v13;
	v1 =	vmul.f32 v3, v10;
	v3 =	vld.idx.msk [tilespmem:v11+s21+$0x0], $0xffff  }
0xc4: {  	[tilespmem:s29+$0x17720] =	vst.add.f32.msk $0xffff, v4  }
0xc5: {  	v4 =	vmul.f32 v7, v14;
	[tilespmem:s29+$0x17730] =	vst.add.f32.msk $0xffff, v6  }
0xc6: {  	s30 =	simm.s32 $0x0;
	s0 =	simm.s32 $0x200;
	[tilespmem:s29+$0x17710] =	vst.add.f32.msk $0xffff, v1;
	v1 =	vmul.f32 v9, v5  }
.LBB2_10:
0xc7: {  	s2 =	sshra.s32 s0, $0x2;
	[tilespmem:s29+$0x17740] =	vst.add.f32.msk $0xffff, v4  }
0xc8: {  	s30 =	sadd.s32 $0x8, s30;
	v2 =	vmul.f32 v3, v2;
	v4 =	vld [tilespmem:s2+$0x1B770]  }
0xc9: {  	p0 =	slt.u32 s30, $0x3F8;
	v3 =	vld [tilespmem:s2+$0x1B700]  }
0xca: {  	v5 =	vld [tilespmem:s2+$0x1B710]  }
0xcb: {  	v6 =	vld [tilespmem:s2+$0x1B720]  }
0xcc: {  	v7 =	vld [tilespmem:s2+$0x1B730]  }
0xcd: {  	v8 =	vld [tilespmem:s2+$0x1B740];
	v9 =	vand.u32 $0xFFFF, v4  }
0xce: {  	v4 =	vshrl.u32 v4, $0x10;
	v10 =	vshrl.u32 v3, $0x10;
	v3 =	vand.u32 $0xFFFF, v3;
	v11 =	vld [tilespmem:s2+$0x1B750]  }
0xcf: {  	v12 =	vshrl.u32 v5, $0x10;
	v5 =	vand.u32 $0xFFFF, v5;
	v13 =	vld [tilespmem:s2+$0x1B760]  }
0xd0: {  	v14 =	vshrl.u32 v6, $0x10;
	v6 =	vand.u32 $0xFFFF, v6;
	[tilespmem:s29+$0x17750] =	vst.add.f32.msk $0xffff, v1  }
0xd1: {  	v1 =	vshrl.u32 v7, $0x10;
	v7 =	vand.u32 $0xFFFF, v7;
	[tilespmem:s29+$0x17760] =	vst.add.f32.msk $0xffff, v2;
	s29 =	smov.u32 s2  }
0xd2: {  	v2 =	vshrl.u32 v8, $0x10;
	v8 =	vand.u32 $0xFFFF, v8;
	v9 =	vld.idx.msk [tilespmem:v9+s15+$0x0], $0xffff  }
0xd3: {  	v15 =	vshrl.u32 v11, $0x10;
	v11 =	vand.u32 $0xFFFF, v11;
	v4 =	vld.idx.msk [tilespmem:v4+s21+$0x0], $0xffff  }
0xd4: {  	v3 =	vld.idx.msk [tilespmem:v3+s15+$0x0], $0xffff;
	v16 =	vshrl.u32 v13, $0x10;
	v13 =	vand.u32 $0xFFFF, v13  }
0xd5: {  	v10 =	vld.idx.msk [tilespmem:v10+s21+$0x0], $0xffff  }
0xd6: {  	v5 =	vld.idx.msk [tilespmem:v5+s15+$0x0], $0xffff  }
0xd7: {  	v12 =	vld.idx.msk [tilespmem:v12+s21+$0x0], $0xffff  }
0xd8: {  	v6 =	vld.idx.msk [tilespmem:v6+s15+$0x0], $0xffff  }
0xd9: {  	v4 =	vmul.f32 v4, v9;
	v14 =	vld.idx.msk [tilespmem:v14+s21+$0x0], $0xffff  }
0xda: {  	v7 =	vld.idx.msk [tilespmem:v7+s15+$0x0], $0xffff  }
0xdb: {  	v9 =	vmul.f32 v10, v3;
	[tilespmem:s29+$0x17770] =	vst.add.f32.msk $0xffff, v4  }
0xdc: {  	v1 =	vld.idx.msk [tilespmem:v1+s21+$0x0], $0xffff  }
0xdd: {  	v4 =	vmul.f32 v12, v5;
	v5 =	vld.idx.msk [tilespmem:v8+s15+$0x0], $0xffff  }
0xde: {  	v8 =	vld.idx.msk [tilespmem:v2+s21+$0x0], $0xffff  }
0xdf: {  	v6 =	vmul.f32 v14, v6;
	v10 =	vld.idx.msk [tilespmem:v11+s15+$0x0], $0xffff  }
0xe0: {  	v11 =	vld.idx.msk [tilespmem:v15+s21+$0x0], $0xffff  }
0xe1: {  	v2 =	vld.idx.msk [tilespmem:v13+s15+$0x0], $0xffff  }
.Ltmp8:
0xe2: {  	v1 =	vmul.f32 v1, v7;
	v3 =	vld.idx.msk [tilespmem:v16+s21+$0x0], $0xffff;
	(pc) =	sbr.rel @p0 .LBB2_10-.Ltmp8, $4  }
0xe3: {  	[tilespmem:s29+$0x17700] =	vst.add.f32.msk $0xffff, v9  }
0xe4: {  	[tilespmem:s29+$0x17710] =	vst.add.f32.msk $0xffff, v4;
	v4 =	vmul.f32 v8, v5  }
0xe5: {  	[tilespmem:s29+$0x17720] =	vst.add.f32.msk $0xffff, v6  }
0xe6: {  	s0 =	sadd.s32 $0x200, s0;
	[tilespmem:s29+$0x17730] =	vst.add.f32.msk $0xffff, v1;
	v1 =	vmul.f32 v11, v10  }
0xe7: {  	[tilespmem:s29+$0x17740] =	vst.add.f32.msk $0xffff, v4;
	v2 =	vmul.f32 v3, v2  }
0xe8: {  	[tilespmem:s29+$0x17750] =	vst.add.f32.msk $0xffff, v1  }
0xe9: {  	[tilespmem:s29+$0x17760] =	vst.add.f32.msk $0xffff, v2  }
.LBB2_12:
0xea: {  	s0 =	sadd.s32 s28, s10  }
0xeb: {  	p0 =	slt.s32 s0, $0x7FF  }
0xec: {  	s0 =	simm.s32 @!p0 $0x7FF  }
0xed: {  	s2 =	sshrl.u32 s0, $0x3  }
0xee: {  	s0 =	sshll.u32 s0, $0x7;
	s2 =	smul.u32 $0x3E800, s2  }
0xef: {  	s0 =	sand.u32 $0x380, s0  }
0xf0: {  	s0 =	sor.u32 s0, s2  }
0xf1: {  	s0 =	sshrl.u32 s0, $0x3  }
0xf2: {  	s0 =	sadd.s32 s1, s0  }
0xf3: {  	[tilespmem:s15], [sflag:$0x2] =	stream.strided.gather [hbm4b:s0+s13], $0x7D00, s14, s13, $0x38;
	[tilespmem:$0x1FB80] =	vst v63  }
0xf4: {  	_ =	swait.ge [sflag:s20], $0x7D00  }
0xf5: {  	s30 =	sshll.u32 s26, $0x4;
	[sflag:s20] =	ssyncset.done $0x0  }
0xf6: {  	s0 =	sand.u32 $0x3FFFFFF0, s30;
	[sflag:s20] =	ssyncadd.s32 $0xFFFF8300  }
0xf7: {  	v1 =	vld [tilespmem:s0+$0x1F700];
	_ =	sdelay $0x4  }
0xf8: {  	(xrf2) =	vadd.scan.msk.f32 $0xffff, v1;
	_ =	sdelay $0x9  }
0xf9: {  	v1, _, _ =	vpop (xrf2)  }
0xfa: {  	(v2sf) =	vpush v1, $0xF;
	_ =	sdelay $0xe  }
0xfb: {  	s31 =	spop (v2sf)  }
0xfc: {  	p0 =	sgt.f32 s31, $0.0e+00  }
.Ltmp9:
0xfd: {  	_ = 	snop;
	(pc) =	sbr.rel @!p0 .LBB2_16-.Ltmp9, $1  }
0xfe: {  	_ =	sdelay $0x3  }
0xff: {  	s26 =	simm.s32 $0x0  }
0x100: {  	v1 =	vld [tilespmem:s26+$0x1B770];
	_ =	sdelay $0x1  }
0x101: {  	v2 =	vld [tilespmem:s26+$0x1B700];
	_ =	sdelay $0x1  }
0x102: {  	v3 =	vld [tilespmem:s26+$0x1B710]  }
0x103: {  	v4 =	vld [tilespmem:s26+$0x1B720];
	v5 =	vand.u32 $0xFFFF, v1  }
0x104: {  	v6 =	vld [tilespmem:s26+$0x1B730];
	v1 =	vshrl.u32 v1, $0x10  }
0x105: {  	v7 =	vld [tilespmem:s26+$0x1B740];
	v8 =	vand.u32 $0xFFFF, v2  }
0x106: {  	v9 =	vld [tilespmem:s26+$0x1B750];
	v2 =	vshrl.u32 v2, $0x10  }
0x107: {  	v11 =	vld [tilespmem:s26+$0x1B760];
	v10 =	vand.u32 $0xFFFF, v3  }
0x108: {  	v3 =	vshrl.u32 v3, $0x10;
	v5 =	vld.idx.msk [tilespmem:v5+s21+$0x0], $0xffff  }
0x109: {  	v12 =	vand.u32 $0xFFFF, v4;
	v1 =	vld.idx.msk [tilespmem:v1+s3+$0x0], $0xffff  }
0x10a: {  	v4 =	vshrl.u32 v4, $0x10;
	v8 =	vld.idx.msk [tilespmem:v8+s21+$0x0], $0xffff  }
0x10b: {  	v13 =	vand.u32 $0xFFFF, v6;
	v2 =	vld.idx.msk [tilespmem:v2+s3+$0x0], $0xffff  }
0x10c: {  	v6 =	vshrl.u32 v6, $0x10;
	v10 =	vld.idx.msk [tilespmem:v10+s21+$0x0], $0xffff  }
0x10d: {  	v14 =	vand.u32 $0xFFFF, v7;
	v3 =	vld.idx.msk [tilespmem:v3+s3+$0x0], $0xffff  }
0x10e: {  	v12 =	vld.idx.msk [tilespmem:v12+s21+$0x0], $0xffff  }
0x10f: {  	v7 =	vshrl.u32 v7, $0x10;
	v4 =	vld.idx.msk [tilespmem:v4+s3+$0x0], $0xffff  }
0x110: {  	v13 =	vld.idx.msk [tilespmem:v13+s21+$0x0], $0xffff  }
0x111: {  	v6 =	vld.idx.msk [tilespmem:v6+s3+$0x0], $0xffff;
	v1 =	vmul.f32 v1, v5;
	v5 =	vand.u32 $0xFFFF, v9  }
0x112: {  	v14 =	vld.idx.msk [tilespmem:v14+s21+$0x0], $0xffff;
	v9 =	vshrl.u32 v9, $0x10  }
0x113: {  	v8 =	vmul.f32 v2, v8;
	[tilespmem:s26+$0x17770] =	vst.add.f32.msk $0xffff, v1;
	v1 =	vand.u32 $0xFFFF, v11  }
0x114: {  	v7 =	vld.idx.msk [tilespmem:v7+s3+$0x0], $0xffff;
	v11 =	vshrl.u32 v11, $0x10  }
0x115: {  	[tilespmem:s26+$0x17700] =	vst.add.f32.msk $0xffff, v8  }
0x116: {  	v5 =	vld.idx.msk [tilespmem:v5+s21+$0x0], $0xffff  }
0x117: {  	v9 =	vld.idx.msk [tilespmem:v9+s3+$0x0], $0xffff  }
0x118: {  	v4 =	vmul.f32 v4, v12;
	v2 =	vld.idx.msk [tilespmem:v1+s21+$0x0], $0xffff  }
0x119: {  	v6 =	vmul.f32 v6, v13;
	v1 =	vmul.f32 v3, v10;
	v3 =	vld.idx.msk [tilespmem:v11+s3+$0x0], $0xffff  }
0x11a: {  	[tilespmem:s26+$0x17720] =	vst.add.f32.msk $0xffff, v4  }
0x11b: {  	v4 =	vmul.f32 v7, v14;
	[tilespmem:s26+$0x17730] =	vst.add.f32.msk $0xffff, v6  }
0x11c: {  	s28 =	simm.s32 $0x0;
	s0 =	simm.s32 $0x200;
	[tilespmem:s26+$0x17710] =	vst.add.f32.msk $0xffff, v1;
	v1 =	vmul.f32 v9, v5  }
.LBB2_14:
0x11d: {  	s2 =	sshra.s32 s0, $0x2;
	[tilespmem:s26+$0x17740] =	vst.add.f32.msk $0xffff, v4  }
0x11e: {  	s28 =	sadd.s32 $0x8, s28;
	v2 =	vmul.f32 v3, v2;
	v4 =	vld [tilespmem:s2+$0x1B770]  }
0x11f: {  	p0 =	slt.u32 s28, $0x3F8;
	v3 =	vld [tilespmem:s2+$0x1B700]  }
0x120: {  	v5 =	vld [tilespmem:s2+$0x1B710]  }
0x121: {  	v6 =	vld [tilespmem:s2+$0x1B720]  }
0x122: {  	v7 =	vld [tilespmem:s2+$0x1B730]  }
0x123: {  	v8 =	vld [tilespmem:s2+$0x1B740];
	v9 =	vand.u32 $0xFFFF, v4  }
0x124: {  	v4 =	vshrl.u32 v4, $0x10;
	v10 =	vshrl.u32 v3, $0x10;
	v3 =	vand.u32 $0xFFFF, v3;
	v11 =	vld [tilespmem:s2+$0x1B750]  }
0x125: {  	v12 =	vshrl.u32 v5, $0x10;
	v5 =	vand.u32 $0xFFFF, v5;
	v13 =	vld [tilespmem:s2+$0x1B760]  }
0x126: {  	v14 =	vshrl.u32 v6, $0x10;
	v6 =	vand.u32 $0xFFFF, v6;
	[tilespmem:s26+$0x17750] =	vst.add.f32.msk $0xffff, v1  }
0x127: {  	v1 =	vshrl.u32 v7, $0x10;
	v7 =	vand.u32 $0xFFFF, v7;
	[tilespmem:s26+$0x17760] =	vst.add.f32.msk $0xffff, v2;
	s26 =	smov.u32 s2  }
0x128: {  	v2 =	vshrl.u32 v8, $0x10;
	v8 =	vand.u32 $0xFFFF, v8;
	v9 =	vld.idx.msk [tilespmem:v9+s21+$0x0], $0xffff  }
0x129: {  	v15 =	vshrl.u32 v11, $0x10;
	v11 =	vand.u32 $0xFFFF, v11;
	v4 =	vld.idx.msk [tilespmem:v4+s3+$0x0], $0xffff  }
0x12a: {  	v3 =	vld.idx.msk [tilespmem:v3+s21+$0x0], $0xffff;
	v16 =	vshrl.u32 v13, $0x10;
	v13 =	vand.u32 $0xFFFF, v13  }
0x12b: {  	v10 =	vld.idx.msk [tilespmem:v10+s3+$0x0], $0xffff  }
0x12c: {  	v5 =	vld.idx.msk [tilespmem:v5+s21+$0x0], $0xffff  }
0x12d: {  	v12 =	vld.idx.msk [tilespmem:v12+s3+$0x0], $0xffff  }
0x12e: {  	v6 =	vld.idx.msk [tilespmem:v6+s21+$0x0], $0xffff  }
0x12f: {  	v4 =	vmul.f32 v4, v9;
	v14 =	vld.idx.msk [tilespmem:v14+s3+$0x0], $0xffff  }
0x130: {  	v7 =	vld.idx.msk [tilespmem:v7+s21+$0x0], $0xffff  }
0x131: {  	v9 =	vmul.f32 v10, v3;
	[tilespmem:s26+$0x17770] =	vst.add.f32.msk $0xffff, v4  }
0x132: {  	v1 =	vld.idx.msk [tilespmem:v1+s3+$0x0], $0xffff  }
0x133: {  	v4 =	vmul.f32 v12, v5;
	v5 =	vld.idx.msk [tilespmem:v8+s21+$0x0], $0xffff  }
0x134: {  	v8 =	vld.idx.msk [tilespmem:v2+s3+$0x0], $0xffff  }
0x135: {  	v6 =	vmul.f32 v14, v6;
	v10 =	vld.idx.msk [tilespmem:v11+s21+$0x0], $0xffff  }
0x136: {  	v11 =	vld.idx.msk [tilespmem:v15+s3+$0x0], $0xffff  }
0x137: {  	v2 =	vld.idx.msk [tilespmem:v13+s21+$0x0], $0xffff  }
.Ltmp10:
0x138: {  	v1 =	vmul.f32 v1, v7;
	v3 =	vld.idx.msk [tilespmem:v16+s3+$0x0], $0xffff;
	(pc) =	sbr.rel @p0 .LBB2_14-.Ltmp10, $4  }
0x139: {  	[tilespmem:s26+$0x17700] =	vst.add.f32.msk $0xffff, v9  }
0x13a: {  	[tilespmem:s26+$0x17710] =	vst.add.f32.msk $0xffff, v4;
	v4 =	vmul.f32 v8, v5  }
0x13b: {  	[tilespmem:s26+$0x17720] =	vst.add.f32.msk $0xffff, v6  }
0x13c: {  	s0 =	sadd.s32 $0x200, s0;
	[tilespmem:s26+$0x17730] =	vst.add.f32.msk $0xffff, v1;
	v1 =	vmul.f32 v11, v10  }
.Ltmp11:
0x13d: {  	(pc) =	sbr.rel .LBB2_16-.Ltmp11, $4  }
0x13e: {  	_ = 	snop  }
0x13f: {  	[tilespmem:s26+$0x17740] =	vst.add.f32.msk $0xffff, v4;
	v2 =	vmul.f32 v3, v2  }
0x140: {  	[tilespmem:s26+$0x17750] =	vst.add.f32.msk $0xffff, v1  }
0x141: {  	[tilespmem:s26+$0x17760] =	vst.add.f32.msk $0xffff, v2  }
.LBB2_18:
0x142: {  	_ =	sfence.sel $0x180000  }
0x143: {  	[bflag:$0x0] =	sbarrier.arrive $0xFFFF  }
0x144: {  	_ =	strace $0x90000047  }
0x145: {  	s0 =	stileid.u32;
	[bflag:$0x2] =	sbarrier.arrive $0xFFFF  }
0x146: {  	p0 =	sne.s32 s0, $0x0;
	s0 =	rddreg [dreg:$0x2]  }
0x147: {  	s0 =	sadd.s32 @!p0 $0x100000, s0  }
0x148: {  	[sflag:s0] =	ssyncadd.tile.s32 @!p0 $0x1;
	_ =	shalt  }
.Lfunc_end2:
_tile_overlayer_lowered:
.L_overlay_start_2:
0x149: {  	(tag) =	ssettag $0x2  }
0x14a: {  	s0 =	rddreg [dreg:$0x0];
	s2 =	stileid.u32  }
0x14b: {  	s1 =	rddreg [dreg:$0x1];
	p0 =	sne.s32 s2, $0x0  }
0x14c: {  	s3 =	rddreg [dreg:$0x2];
	[bflag:$0x3] =	sbarrier.arrive $0xFFFF;
	s2 =	simm.s32 @!p0 $0x1C04  }
0x14d: {  	[timem:s3], [sflag:s2] =	dma.local @!p0 [hbm:s0], s1  }
0x14e: {  	s0 =	simm.s32 @!p0 $0x4  }
0x14f: {  	_ =	swait.ge @!p0 [sflag:s0], s1  }
0x150: {  	s1 =	ssub.s32 @!p0 $0x0, s1;
	[sflag:s0] =	ssyncset.done @!p0 $0x0  }
0x151: {  	[sflag:s0] =	ssyncadd.s32 @!p0 s1  }
0x152: {  	[bflag:$0x3] =	sbarrier.arrive $0xFFFF  }
0x153: {  	_ =	shalt  }

</sc_bundles>
